<compile_context>
chip_gen: v7x
topology: tpu7x:2x2x1
jax: 0.10.2.dev20260603
libtpu: 0.0.44.dev20260713+nightly
codegen_flags: <defaults>
</compile_context>

<pallas_src>
import functools

import jax
import jax.numpy as jnp
from jax import lax
from jax.experimental import pallas as pl
from jax.experimental.pallas import tpu as pltpu
from jax.experimental.pallas import tpu_sc as plsc

NW = 32
CHUNK = 128
SUB = 2
ROWS = CHUNK * SUB
NBUF = 3


def _gather_kernel(n_rows, d, nstep, table_hbm, idx_hbm, out_hbm, idx_v, bufs,
                   gsem, ssem):
    wid = lax.axis_index("s") * 2 + lax.axis_index("c")
    base = wid * (nstep * ROWS)
    pltpu.sync_copy(idx_hbm.at[wid], idx_v)

    def gather_start(g, b):
        for j in range(SUB):
            pltpu.make_async_copy(
                table_hbm.at[idx_v.at[g * SUB + j]],
                bufs.at[b, pl.ds(j * CHUNK, CHUNK)], gsem.at[b]).start()

    def gather_wait(g, b):
        for j in range(SUB):
            pltpu.make_async_copy(
                table_hbm.at[idx_v.at[g * SUB + j]],
                bufs.at[b, pl.ds(j * CHUNK, CHUNK)], gsem.at[b]).wait()

    def scatter(g, b):
        return pltpu.make_async_copy(
            bufs.at[b], out_hbm.at[pl.ds(base + g * ROWS, ROWS)],
            ssem.at[b])

    for b in range(NBUF):
        gather_start(b, b)

    ngrp = nstep // NBUF

    def group(o, carry):
        for b in range(NBUF):
            g = o * NBUF + b
            gather_wait(g, b)
            scatter(g, b).start()
        for b in range(NBUF):
            g = o * NBUF + b
            scatter(g, b).wait()
            gather_start(g + NBUF, b)
        return carry

    lax.fori_loop(0, ngrp - 1, group, 0, unroll=False)

    rem_start = (ngrp - 1) * NBUF
    tail = nstep - rem_start
    for t in range(tail):
        g = rem_start + t
        b = g % NBUF
        gather_wait(g, b)
        scatter(g, b).start()
        if t + NBUF < tail:
            scatter(g, b).wait()
            gather_start(g + NBUF, b)
    for t in range(max(tail - NBUF, 0), tail):
        g = rem_start + t
        scatter(g, g % NBUF).wait()


def kernel(x, table):
    bsz, seq = x.shape
    v, d = table.shape
    total = bsz * seq
    per_w = total // NW
    nch = per_w // CHUNK
    nstep = per_w // ROWS
    idx = x.reshape(NW, nch, CHUNK).astype(jnp.int32)

    mesh = plsc.VectorSubcoreMesh(core_axis_name="c", subcore_axis_name="s")
    k = functools.partial(
        pl.kernel,
        mesh=mesh,
        out_type=jax.ShapeDtypeStruct((total, d), jnp.float32),
        scratch_types=[
            pltpu.VMEM((nch, CHUNK), jnp.int32),
            pltpu.VMEM((NBUF, ROWS, d), jnp.float32),
            pltpu.SemaphoreType.DMA((NBUF,)),
            pltpu.SemaphoreType.DMA((NBUF,)),
        ],
    )(functools.partial(_gather_kernel, total, d, nstep))
    out = k(table, idx)
    return out.reshape(bsz, seq, d)

# --- scband reference (transcript-rebuilt; emitter-appended) ---
"""Pipeline reference for scband-log-template-embedding-11330123727320 (READ-ONLY COPY).

The authoritative reference and input builder live on the scoring server;
editing this copy changes nothing except your own understanding.
"""

import jax, jax.numpy as jnp
import numpy as np

VOCAB = 100000
EMBED = 128

def setup_inputs(seed: int = 0) -> dict:
    key = jax.random.key(seed)
    k_idx, k_tbl = jax.random.split(key)
    x = jax.random.randint(k_idx, (4096, 200), 0, VOCAB, dtype=jnp.int64 if jax.config.jax_enable_x64 else jnp.int32)
    table = jax.random.normal(k_tbl, (VOCAB, EMBED), dtype=jnp.float32) * 0.05
    return {"x": x, "table": table}

def reference(x, table):
    # LogTemplateEmbedding.call: plain trainable embedding lookup
    return jnp.take(table, x, axis=0)

if __name__ == "__main__":
    import jax
    _d = setup_inputs()
    print(jax.jit(kernel)(*tuple(_d.values())))

</pallas_src>

<mosaic_0001>
#map = affine_map<(d0, d1) -> (0, 0)>
#map1 = affine_map<(d0, d1) -> (0, 0, 0)>
module attributes {stable_mosaic.version = 14 : i64} {
  func.func @_gather_kernel(%arg0: i32, %arg1: i32, %arg2: memref<100000x128xf32, #tpu.memory_space<hbm>>, %arg3: memref<32x200x128xi32, #tpu.memory_space<hbm>>, %arg4: memref<819200x128xf32, #tpu.memory_space<hbm>>, %arg5: memref<200x128xi32, #tpu.memory_space<vmem>>, %arg6: memref<3x256x128xf32, #tpu.memory_space<vmem>>, %arg7: memref<3x!tpu.dma_semaphore, #tpu.memory_space<semaphore_mem>>, %arg8: memref<3x!tpu.dma_semaphore, #tpu.memory_space<semaphore_mem>>) attributes {dimension_semantics = [#tpu.dimension_semantics<core_parallel>, #tpu.dimension_semantics<subcore_parallel>], iteration_bounds = array<i64: 2, 16>, scalar_prefetch = 0 : i64, scratch_operands = 4 : i64, tpu.core_type = #tpu.core_type<sc_vector_subcore>, window_params = [{transform_indices = #map}, {transform_indices = #map1}, {transform_indices = #map}]} {
    %mul3A = arith.constant 2 : i32
    %mul3A_0 = arith.muli %arg1, %mul3A : i32
    %add3A = arith.addi %mul3A_0, %arg0 : i32
    %mul3A_1 = arith.constant 25600 : i32
    %mul3A_2 = arith.muli %add3A, %mul3A_1 : i32
    "tpu.region"() ({
      %run_scoped3A = tpu.sem_alloc : memref<!tpu.dma_semaphore, #tpu.memory_space<semaphore_mem>>
      %dma_start3A_390 = arith.constant 0 : i32
      %dma_start3A_391 = arith.constant 0 : i32
      %dma_start3A_392 = tpu.memref_slice %arg3[%add3A, %dma_start3A_390, %dma_start3A_391] : memref<32x200x128xi32, #tpu.memory_space<hbm>> -> memref<1x200x128xi32, #tpu.memory_space<hbm>>
      %dma_start3A_393 = tpu.memref_squeeze %dma_start3A_392 : memref<1x200x128xi32, #tpu.memory_space<hbm>> -> memref<200x128xi32, #tpu.memory_space<hbm>>
      %dma_start3A_394 = arith.constant 0 : i32
      %dma_start3A_395 = arith.constant 0 : i32
      %dma_start3A_396 = tpu.memref_slice %arg3[%add3A, %dma_start3A_394, %dma_start3A_395] : memref<32x200x128xi32, #tpu.memory_space<hbm>> -> memref<1x200x128xi32, #tpu.memory_space<hbm>>
      %dma_start3A_397 = tpu.memref_squeeze %dma_start3A_396 : memref<1x200x128xi32, #tpu.memory_space<hbm>> -> memref<200x128xi32, #tpu.memory_space<hbm>>
      tpu.enqueue_dma source(%dma_start3A_397 : memref<200x128xi32, #tpu.memory_space<hbm>>) target(%arg5 : memref<200x128xi32, #tpu.memory_space<vmem>>) target_semaphore(%run_scoped3A : memref<!tpu.dma_semaphore, #tpu.memory_space<semaphore_mem>>)
      %dma_wait3A_398 = arith.constant 0 : i32
      %dma_wait3A_399 = arith.constant 0 : i32
      %dma_wait3A_400 = tpu.memref_slice %arg3[%add3A, %dma_wait3A_398, %dma_wait3A_399] : memref<32x200x128xi32, #tpu.memory_space<hbm>> -> memref<1x200x128xi32, #tpu.memory_space<hbm>>
      %dma_wait3A_401 = tpu.memref_squeeze %dma_wait3A_400 : memref<1x200x128xi32, #tpu.memory_space<hbm>> -> memref<200x128xi32, #tpu.memory_space<hbm>>
      %dma_wait3A_402 = arith.constant 0 : i32
      %dma_wait3A_403 = arith.constant 0 : i32
      %dma_wait3A_404 = tpu.memref_slice %arg3[%add3A, %dma_wait3A_402, %dma_wait3A_403] : memref<32x200x128xi32, #tpu.memory_space<hbm>> -> memref<1x200x128xi32, #tpu.memory_space<hbm>>
      %dma_wait3A_405 = tpu.memref_squeeze %dma_wait3A_404 : memref<1x200x128xi32, #tpu.memory_space<hbm>> -> memref<200x128xi32, #tpu.memory_space<hbm>>
      tpu.wait_dma2 semaphore(%run_scoped3A : memref<!tpu.dma_semaphore, #tpu.memory_space<semaphore_mem>>) src(%dma_wait3A_405 : memref<200x128xi32, #tpu.memory_space<hbm>>) dst(%arg5 : memref<200x128xi32, #tpu.memory_space<vmem>>)
      tpu.yield
    }) : () -> ()
    %dma_start3A = arith.constant 0 : i32
    %dma_start3A_3 = arith.constant 0 : i32
    %dma_start3A_4 = arith.constant 0 : i32
    %dma_start3A_5 = arith.constant 0 : i32
    %dma_start3A_6 = arith.constant 0 : i32
    %dma_start3A_7 = tpu.memref_slice %arg6[%dma_start3A_3, %dma_start3A_5, %dma_start3A_6] : memref<3x256x128xf32, #tpu.memory_space<vmem>> -> memref<1x128x128xf32, #tpu.memory_space<vmem>>
    %dma_start3A_8 = tpu.memref_squeeze %dma_start3A_7 : memref<1x128x128xf32, #tpu.memory_space<vmem>> -> memref<128x128xf32, #tpu.memory_space<vmem>>
    %dma_start3A_9 = arith.constant 0 : i32
    %dma_start3A_10 = tpu.memref_slice %arg5[%dma_start3A, %dma_start3A_9] : memref<200x128xi32, #tpu.memory_space<vmem>> -> memref<1x128xi32, #tpu.memory_space<vmem>>
    %dma_start3A_11 = tpu.memref_squeeze %dma_start3A_10 : memref<1x128xi32, #tpu.memory_space<vmem>> -> memref<128xi32, #tpu.memory_space<vmem>>
    %dma_start3A_12 = arith.constant 0 : i32
    %dma_start3A_13 = arith.constant 0 : i32
    %dma_start3A_14 = tpu.memref_slice %arg2[%dma_start3A_12, %dma_start3A_13] : memref<100000x128xf32, #tpu.memory_space<hbm>> -> memref<100000x128xf32, #tpu.memory_space<hbm>>
    %dma_start3A_15 = tpu.memref_slice %arg7[%dma_start3A_4] : memref<3x!tpu.dma_semaphore, #tpu.memory_space<semaphore_mem>> -> memref<1x!tpu.dma_semaphore, #tpu.memory_space<semaphore_mem>>
    %dma_start3A_16 = tpu.memref_squeeze %dma_start3A_15 : memref<1x!tpu.dma_semaphore, #tpu.memory_space<semaphore_mem>> -> memref<!tpu.dma_semaphore, #tpu.memory_space<semaphore_mem>>
    tpu.enqueue_indirect_dma source(%dma_start3A_14 : memref<100000x128xf32, #tpu.memory_space<hbm>>) target(%dma_start3A_8 : memref<128x128xf32, #tpu.memory_space<vmem>>) offsets(%dma_start3A_11 : memref<128xi32, #tpu.memory_space<vmem>>) semaphore(%dma_start3A_16 : memref<!tpu.dma_semaphore, #tpu.memory_space<semaphore_mem>>)
    %dma_start3A_17 = arith.constant 1 : i32
    %dma_start3A_18 = arith.constant 0 : i32
    %dma_start3A_19 = arith.constant 0 : i32
    %dma_start3A_20 = arith.constant 128 : i32
    %dma_start3A_21 = arith.constant 0 : i32
    %dma_start3A_22 = tpu.memref_slice %arg6[%dma_start3A_18, %dma_start3A_20, %dma_start3A_21] : memref<3x256x128xf32, #tpu.memory_space<vmem>> -> memref<1x128x128xf32, #tpu.memory_space<vmem>>
    %dma_start3A_23 = tpu.memref_squeeze %dma_start3A_22 : memref<1x128x128xf32, #tpu.memory_space<vmem>> -> memref<128x128xf32, #tpu.memory_space<vmem>>
    %dma_start3A_24 = arith.constant 0 : i32
    %dma_start3A_25 = tpu.memref_slice %arg5[%dma_start3A_17, %dma_start3A_24] : memref<200x128xi32, #tpu.memory_space<vmem>> -> memref<1x128xi32, #tpu.memory_space<vmem>>
    %dma_start3A_26 = tpu.memref_squeeze %dma_start3A_25 : memref<1x128xi32, #tpu.memory_space<vmem>> -> memref<128xi32, #tpu.memory_space<vmem>>
    %dma_start3A_27 = arith.constant 0 : i32
    %dma_start3A_28 = arith.constant 0 : i32
    %dma_start3A_29 = tpu.memref_slice %arg2[%dma_start3A_27, %dma_start3A_28] : memref<100000x128xf32, #tpu.memory_space<hbm>> -> memref<100000x128xf32, #tpu.memory_space<hbm>>
    %dma_start3A_30 = tpu.memref_slice %arg7[%dma_start3A_19] : memref<3x!tpu.dma_semaphore, #tpu.memory_space<semaphore_mem>> -> memref<1x!tpu.dma_semaphore, #tpu.memory_space<semaphore_mem>>
    %dma_start3A_31 = tpu.memref_squeeze %dma_start3A_30 : memref<1x!tpu.dma_semaphore, #tpu.memory_space<semaphore_mem>> -> memref<!tpu.dma_semaphore, #tpu.memory_space<semaphore_mem>>
    tpu.enqueue_indirect_dma source(%dma_start3A_29 : memref<100000x128xf32, #tpu.memory_space<hbm>>) target(%dma_start3A_23 : memref<128x128xf32, #tpu.memory_space<vmem>>) offsets(%dma_start3A_26 : memref<128xi32, #tpu.memory_space<vmem>>) semaphore(%dma_start3A_31 : memref<!tpu.dma_semaphore, #tpu.memory_space<semaphore_mem>>)
    %dma_start3A_32 = arith.constant 2 : i32
    %dma_start3A_33 = arith.constant 1 : i32
    %dma_start3A_34 = arith.constant 1 : i32
    %dma_start3A_35 = arith.constant 0 : i32
    %dma_start3A_36 = arith.constant 0 : i32
    %dma_start3A_37 = tpu.memref_slice %arg6[%dma_start3A_33, %dma_start3A_35, %dma_start3A_36] : memref<3x256x128xf32, #tpu.memory_space<vmem>> -> memref<1x128x128xf32, #tpu.memory_space<vmem>>
    %dma_start3A_38 = tpu.memref_squeeze %dma_start3A_37 : memref<1x128x128xf32, #tpu.memory_space<vmem>> -> memref<128x128xf32, #tpu.memory_space<vmem>>
    %dma_start3A_39 = arith.constant 0 : i32
    %dma_start3A_40 = tpu.memref_slice %arg5[%dma_start3A_32, %dma_start3A_39] : memref<200x128xi32, #tpu.memory_space<vmem>> -> memref<1x128xi32, #tpu.memory_space<vmem>>
    %dma_start3A_41 = tpu.memref_squeeze %dma_start3A_40 : memref<1x128xi32, #tpu.memory_space<vmem>> -> memref<128xi32, #tpu.memory_space<vmem>>
    %dma_start3A_42 = arith.constant 0 : i32
    %dma_start3A_43 = arith.constant 0 : i32
    %dma_start3A_44 = tpu.memref_slice %arg2[%dma_start3A_42, %dma_start3A_43] : memref<100000x128xf32, #tpu.memory_space<hbm>> -> memref<100000x128xf32, #tpu.memory_space<hbm>>
    %dma_start3A_45 = tpu.memref_slice %arg7[%dma_start3A_34] : memref<3x!tpu.dma_semaphore, #tpu.memory_space<semaphore_mem>> -> memref<1x!tpu.dma_semaphore, #tpu.memory_space<semaphore_mem>>
    %dma_start3A_46 = tpu.memref_squeeze %dma_start3A_45 : memref<1x!tpu.dma_semaphore, #tpu.memory_space<semaphore_mem>> -> memref<!tpu.dma_semaphore, #tpu.memory_space<semaphore_mem>>
    tpu.enqueue_indirect_dma source(%dma_start3A_44 : memref<100000x128xf32, #tpu.memory_space<hbm>>) target(%dma_start3A_38 : memref<128x128xf32, #tpu.memory_space<vmem>>) offsets(%dma_start3A_41 : memref<128xi32, #tpu.memory_space<vmem>>) semaphore(%dma_start3A_46 : memref<!tpu.dma_semaphore, #tpu.memory_space<semaphore_mem>>)
    %dma_start3A_47 = arith.constant 3 : i32
    %dma_start3A_48 = arith.constant 1 : i32
    %dma_start3A_49 = arith.constant 1 : i32
    %dma_start3A_50 = arith.constant 128 : i32
    %dma_start3A_51 = arith.constant 0 : i32
    %dma_start3A_52 = tpu.memref_slice %arg6[%dma_start3A_48, %dma_start3A_50, %dma_start3A_51] : memref<3x256x128xf32, #tpu.memory_space<vmem>> -> memref<1x128x128xf32, #tpu.memory_space<vmem>>
    %dma_start3A_53 = tpu.memref_squeeze %dma_start3A_52 : memref<1x128x128xf32, #tpu.memory_space<vmem>> -> memref<128x128xf32, #tpu.memory_space<vmem>>
    %dma_start3A_54 = arith.constant 0 : i32
    %dma_start3A_55 = tpu.memref_slice %arg5[%dma_start3A_47, %dma_start3A_54] : memref<200x128xi32, #tpu.memory_space<vmem>> -> memref<1x128xi32, #tpu.memory_space<vmem>>
    %dma_start3A_56 = tpu.memref_squeeze %dma_start3A_55 : memref<1x128xi32, #tpu.memory_space<vmem>> -> memref<128xi32, #tpu.memory_space<vmem>>
    %dma_start3A_57 = arith.constant 0 : i32
    %dma_start3A_58 = arith.constant 0 : i32
    %dma_start3A_59 = tpu.memref_slice %arg2[%dma_start3A_57, %dma_start3A_58] : memref<100000x128xf32, #tpu.memory_space<hbm>> -> memref<100000x128xf32, #tpu.memory_space<hbm>>
    %dma_start3A_60 = tpu.memref_slice %arg7[%dma_start3A_49] : memref<3x!tpu.dma_semaphore, #tpu.memory_space<semaphore_mem>> -> memref<1x!tpu.dma_semaphore, #tpu.memory_space<semaphore_mem>>
    %dma_start3A_61 = tpu.memref_squeeze %dma_start3A_60 : memref<1x!tpu.dma_semaphore, #tpu.memory_space<semaphore_mem>> -> memref<!tpu.dma_semaphore, #tpu.memory_space<semaphore_mem>>
    tpu.enqueue_indirect_dma source(%dma_start3A_59 : memref<100000x128xf32, #tpu.memory_space<hbm>>) target(%dma_start3A_53 : memref<128x128xf32, #tpu.memory_space<vmem>>) offsets(%dma_start3A_56 : memref<128xi32, #tpu.memory_space<vmem>>) semaphore(%dma_start3A_61 : memref<!tpu.dma_semaphore, #tpu.memory_space<semaphore_mem>>)
    %dma_start3A_62 = arith.constant 4 : i32
    %dma_start3A_63 = arith.constant 2 : i32
    %dma_start3A_64 = arith.constant 2 : i32
    %dma_start3A_65 = arith.constant 0 : i32
    %dma_start3A_66 = arith.constant 0 : i32
    %dma_start3A_67 = tpu.memref_slice %arg6[%dma_start3A_63, %dma_start3A_65, %dma_start3A_66] : memref<3x256x128xf32, #tpu.memory_space<vmem>> -> memref<1x128x128xf32, #tpu.memory_space<vmem>>
    %dma_start3A_68 = tpu.memref_squeeze %dma_start3A_67 : memref<1x128x128xf32, #tpu.memory_space<vmem>> -> memref<128x128xf32, #tpu.memory_space<vmem>>
    %dma_start3A_69 = arith.constant 0 : i32
    %dma_start3A_70 = tpu.memref_slice %arg5[%dma_start3A_62, %dma_start3A_69] : memref<200x128xi32, #tpu.memory_space<vmem>> -> memref<1x128xi32, #tpu.memory_space<vmem>>
    %dma_start3A_71 = tpu.memref_squeeze %dma_start3A_70 : memref<1x128xi32, #tpu.memory_space<vmem>> -> memref<128xi32, #tpu.memory_space<vmem>>
    %dma_start3A_72 = arith.constant 0 : i32
    %dma_start3A_73 = arith.constant 0 : i32
    %dma_start3A_74 = tpu.memref_slice %arg2[%dma_start3A_72, %dma_start3A_73] : memref<100000x128xf32, #tpu.memory_space<hbm>> -> memref<100000x128xf32, #tpu.memory_space<hbm>>
    %dma_start3A_75 = tpu.memref_slice %arg7[%dma_start3A_64] : memref<3x!tpu.dma_semaphore, #tpu.memory_space<semaphore_mem>> -> memref<1x!tpu.dma_semaphore, #tpu.memory_space<semaphore_mem>>
    %dma_start3A_76 = tpu.memref_squeeze %dma_start3A_75 : memref<1x!tpu.dma_semaphore, #tpu.memory_space<semaphore_mem>> -> memref<!tpu.dma_semaphore, #tpu.memory_space<semaphore_mem>>
    tpu.enqueue_indirect_dma source(%dma_start3A_74 : memref<100000x128xf32, #tpu.memory_space<hbm>>) target(%dma_start3A_68 : memref<128x128xf32, #tpu.memory_space<vmem>>) offsets(%dma_start3A_71 : memref<128xi32, #tpu.memory_space<vmem>>) semaphore(%dma_start3A_76 : memref<!tpu.dma_semaphore, #tpu.memory_space<semaphore_mem>>)
    %dma_start3A_77 = arith.constant 5 : i32
    %dma_start3A_78 = arith.constant 2 : i32
    %dma_start3A_79 = arith.constant 2 : i32
    %dma_start3A_80 = arith.constant 128 : i32
    %dma_start3A_81 = arith.constant 0 : i32
    %dma_start3A_82 = tpu.memref_slice %arg6[%dma_start3A_78, %dma_start3A_80, %dma_start3A_81] : memref<3x256x128xf32, #tpu.memory_space<vmem>> -> memref<1x128x128xf32, #tpu.memory_space<vmem>>
    %dma_start3A_83 = tpu.memref_squeeze %dma_start3A_82 : memref<1x128x128xf32, #tpu.memory_space<vmem>> -> memref<128x128xf32, #tpu.memory_space<vmem>>
    %dma_start3A_84 = arith.constant 0 : i32
    %dma_start3A_85 = tpu.memref_slice %arg5[%dma_start3A_77, %dma_start3A_84] : memref<200x128xi32, #tpu.memory_space<vmem>> -> memref<1x128xi32, #tpu.memory_space<vmem>>
    %dma_start3A_86 = tpu.memref_squeeze %dma_start3A_85 : memref<1x128xi32, #tpu.memory_space<vmem>> -> memref<128xi32, #tpu.memory_space<vmem>>
    %dma_start3A_87 = arith.constant 0 : i32
    %dma_start3A_88 = arith.constant 0 : i32
    %dma_start3A_89 = tpu.memref_slice %arg2[%dma_start3A_87, %dma_start3A_88] : memref<100000x128xf32, #tpu.memory_space<hbm>> -> memref<100000x128xf32, #tpu.memory_space<hbm>>
    %dma_start3A_90 = tpu.memref_slice %arg7[%dma_start3A_79] : memref<3x!tpu.dma_semaphore, #tpu.memory_space<semaphore_mem>> -> memref<1x!tpu.dma_semaphore, #tpu.memory_space<semaphore_mem>>
    %dma_start3A_91 = tpu.memref_squeeze %dma_start3A_90 : memref<1x!tpu.dma_semaphore, #tpu.memory_space<semaphore_mem>> -> memref<!tpu.dma_semaphore, #tpu.memory_space<semaphore_mem>>
    tpu.enqueue_indirect_dma source(%dma_start3A_89 : memref<100000x128xf32, #tpu.memory_space<hbm>>) target(%dma_start3A_83 : memref<128x128xf32, #tpu.memory_space<vmem>>) offsets(%dma_start3A_86 : memref<128xi32, #tpu.memory_space<vmem>>) semaphore(%dma_start3A_91 : memref<!tpu.dma_semaphore, #tpu.memory_space<semaphore_mem>>)
    %scan3A = arith.constant 0 : i32
    %scan3A_92 = arith.constant 0 : i32
    %scan3A_93 = arith.constant 32 : i32
    %scan3A_94 = arith.addi %scan3A_92, %scan3A_93 : i32
    %scan3A_95 = arith.constant 1 : i32
    scf.for %scan3A_390 = %scan3A_92 to %scan3A_94 step %scan3A_95  : i32 {
      %mul3A_391 = arith.constant 3 : i32
      %mul3A_392 = arith.muli %scan3A_390, %mul3A_391 : i32
      %add3A_393 = arith.constant 0 : i32
      %add3A_394 = arith.addi %mul3A_392, %add3A_393 : i32
      %mul3A_395 = arith.constant 2 : i32
      %mul3A_396 = arith.muli %add3A_394, %mul3A_395 : i32
      %add3A_397 = arith.constant 0 : i32
      %add3A_398 = arith.addi %mul3A_396, %add3A_397 : i32
      %dma_wait3A_399 = arith.constant 0 : i32
      %dma_wait3A_400 = arith.constant 0 : i32
      %dma_wait3A_401 = arith.constant 0 : i32
      %dma_wait3A_402 = arith.constant 0 : i32
      %dma_wait3A_403 = tpu.memref_slice %arg6[%dma_wait3A_399, %dma_wait3A_401, %dma_wait3A_402] : memref<3x256x128xf32, #tpu.memory_space<vmem>> -> memref<1x128x128xf32, #tpu.memory_space<vmem>>
      %dma_wait3A_404 = tpu.memref_squeeze %dma_wait3A_403 : memref<1x128x128xf32, #tpu.memory_space<vmem>> -> memref<128x128xf32, #tpu.memory_space<vmem>>
      %dma_wait3A_405 = arith.constant 0 : i32
      %dma_wait3A_406 = tpu.memref_slice %arg5[%add3A_398, %dma_wait3A_405] : memref<200x128xi32, #tpu.memory_space<vmem>> -> memref<1x128xi32, #tpu.memory_space<vmem>>
      %dma_wait3A_407 = tpu.memref_squeeze %dma_wait3A_406 : memref<1x128xi32, #tpu.memory_space<vmem>> -> memref<128xi32, #tpu.memory_space<vmem>>
      %dma_wait3A_408 = arith.constant 0 : i32
      %dma_wait3A_409 = arith.constant 0 : i32
      %dma_wait3A_410 = tpu.memref_slice %arg2[%dma_wait3A_408, %dma_wait3A_409] : memref<100000x128xf32, #tpu.memory_space<hbm>> -> memref<100000x128xf32, #tpu.memory_space<hbm>>
      %dma_wait3A_411 = tpu.memref_slice %arg7[%dma_wait3A_400] : memref<3x!tpu.dma_semaphore, #tpu.memory_space<semaphore_mem>> -> memref<1x!tpu.dma_semaphore, #tpu.memory_space<semaphore_mem>>
      %dma_wait3A_412 = tpu.memref_squeeze %dma_wait3A_411 : memref<1x!tpu.dma_semaphore, #tpu.memory_space<semaphore_mem>> -> memref<!tpu.dma_semaphore, #tpu.memory_space<semaphore_mem>>
      tpu.wait_indirect_dma semaphore(%dma_wait3A_412 : memref<!tpu.dma_semaphore, #tpu.memory_space<semaphore_mem>>) src(%dma_wait3A_410 : memref<100000x128xf32, #tpu.memory_space<hbm>>) dst(%dma_wait3A_404 : memref<128x128xf32, #tpu.memory_space<vmem>>)
      %mul3A_413 = arith.constant 2 : i32
      %mul3A_414 = arith.muli %add3A_394, %mul3A_413 : i32
      %add3A_415 = arith.constant 1 : i32
      %add3A_416 = arith.addi %mul3A_414, %add3A_415 : i32
      %dma_wait3A_417 = arith.constant 0 : i32
      %dma_wait3A_418 = arith.constant 0 : i32
      %dma_wait3A_419 = arith.constant 128 : i32
      %dma_wait3A_420 = arith.constant 0 : i32
      %dma_wait3A_421 = tpu.memref_slice %arg6[%dma_wait3A_417, %dma_wait3A_419, %dma_wait3A_420] : memref<3x256x128xf32, #tpu.memory_space<vmem>> -> memref<1x128x128xf32, #tpu.memory_space<vmem>>
      %dma_wait3A_422 = tpu.memref_squeeze %dma_wait3A_421 : memref<1x128x128xf32, #tpu.memory_space<vmem>> -> memref<128x128xf32, #tpu.memory_space<vmem>>
      %dma_wait3A_423 = arith.constant 0 : i32
      %dma_wait3A_424 = tpu.memref_slice %arg5[%add3A_416, %dma_wait3A_423] : memref<200x128xi32, #tpu.memory_space<vmem>> -> memref<1x128xi32, #tpu.memory_space<vmem>>
      %dma_wait3A_425 = tpu.memref_squeeze %dma_wait3A_424 : memref<1x128xi32, #tpu.memory_space<vmem>> -> memref<128xi32, #tpu.memory_space<vmem>>
      %dma_wait3A_426 = arith.constant 0 : i32
      %dma_wait3A_427 = arith.constant 0 : i32
      %dma_wait3A_428 = tpu.memref_slice %arg2[%dma_wait3A_426, %dma_wait3A_427] : memref<100000x128xf32, #tpu.memory_space<hbm>> -> memref<100000x128xf32, #tpu.memory_space<hbm>>
      %dma_wait3A_429 = tpu.memref_slice %arg7[%dma_wait3A_418] : memref<3x!tpu.dma_semaphore, #tpu.memory_space<semaphore_mem>> -> memref<1x!tpu.dma_semaphore, #tpu.memory_space<semaphore_mem>>
      %dma_wait3A_430 = tpu.memref_squeeze %dma_wait3A_429 : memref<1x!tpu.dma_semaphore, #tpu.memory_space<semaphore_mem>> -> memref<!tpu.dma_semaphore, #tpu.memory_space<semaphore_mem>>
      tpu.wait_indirect_dma semaphore(%dma_wait3A_430 : memref<!tpu.dma_semaphore, #tpu.memory_space<semaphore_mem>>) src(%dma_wait3A_428 : memref<100000x128xf32, #tpu.memory_space<hbm>>) dst(%dma_wait3A_422 : memref<128x128xf32, #tpu.memory_space<vmem>>)
      %mul3A_431 = arith.constant 256 : i32
      %mul3A_432 = arith.muli %add3A_394, %mul3A_431 : i32
      %add3A_433 = arith.addi %mul3A_2, %mul3A_432 : i32
      %dma_start3A_434 = arith.constant 0 : i32
      %dma_start3A_435 = arith.constant 0 : i32
      %dma_start3A_436 = arith.constant 0 : i32
      %dma_start3A_437 = arith.constant 0 : i32
      %dma_start3A_438 = tpu.memref_slice %arg6[%dma_start3A_434, %dma_start3A_436, %dma_start3A_437] : memref<3x256x128xf32, #tpu.memory_space<vmem>> -> memref<1x256x128xf32, #tpu.memory_space<vmem>>
      %dma_start3A_439 = tpu.memref_squeeze %dma_start3A_438 : memref<1x256x128xf32, #tpu.memory_space<vmem>> -> memref<256x128xf32, #tpu.memory_space<vmem>>
      %dma_start3A_440 = arith.constant 0 : i32
      %dma_start3A_441 = tpu.memref_slice %arg4[%add3A_433, %dma_start3A_440] : memref<819200x128xf32, #tpu.memory_space<hbm>> -> memref<256x128xf32, #tpu.memory_space<hbm>>
      %dma_start3A_442 = tpu.memref_slice %arg8[%dma_start3A_435] : memref<3x!tpu.dma_semaphore, #tpu.memory_space<semaphore_mem>> -> memref<1x!tpu.dma_semaphore, #tpu.memory_space<semaphore_mem>>
      %dma_start3A_443 = tpu.memref_squeeze %dma_start3A_442 : memref<1x!tpu.dma_semaphore, #tpu.memory_space<semaphore_mem>> -> memref<!tpu.dma_semaphore, #tpu.memory_space<semaphore_mem>>
      %dma_start3A_444 = arith.constant 0 : i32
      %dma_start3A_445 = tpu.memref_slice %arg4[%add3A_433, %dma_start3A_444] : memref<819200x128xf32, #tpu.memory_space<hbm>> -> memref<256x128xf32, #tpu.memory_space<hbm>>
      %dma_start3A_446 = arith.constant 0 : i32
      %dma_start3A_447 = arith.constant 0 : i32
      %dma_start3A_448 = tpu.memref_slice %arg6[%dma_start3A_434, %dma_start3A_446, %dma_start3A_447] : memref<3x256x128xf32, #tpu.memory_space<vmem>> -> memref<1x256x128xf32, #tpu.memory_space<vmem>>
      %dma_start3A_449 = tpu.memref_squeeze %dma_start3A_448 : memref<1x256x128xf32, #tpu.memory_space<vmem>> -> memref<256x128xf32, #tpu.memory_space<vmem>>
      tpu.enqueue_dma source(%dma_start3A_449 : memref<256x128xf32, #tpu.memory_space<vmem>>) target(%dma_start3A_445 : memref<256x128xf32, #tpu.memory_space<hbm>>) target_semaphore(%dma_start3A_443 : memref<!tpu.dma_semaphore, #tpu.memory_space<semaphore_mem>>)
      %mul3A_450 = arith.constant 3 : i32
      %mul3A_451 = arith.muli %scan3A_390, %mul3A_450 : i32
      %add3A_452 = arith.constant 1 : i32
      %add3A_453 = arith.addi %mul3A_451, %add3A_452 : i32
      %mul3A_454 = arith.constant 2 : i32
      %mul3A_455 = arith.muli %add3A_453, %mul3A_454 : i32
      %add3A_456 = arith.constant 0 : i32
      %add3A_457 = arith.addi %mul3A_455, %add3A_456 : i32
      %dma_wait3A_458 = arith.constant 1 : i32
      %dma_wait3A_459 = arith.constant 1 : i32
      %dma_wait3A_460 = arith.constant 0 : i32
      %dma_wait3A_461 = arith.constant 0 : i32
      %dma_wait3A_462 = tpu.memref_slice %arg6[%dma_wait3A_458, %dma_wait3A_460, %dma_wait3A_461] : memref<3x256x128xf32, #tpu.memory_space<vmem>> -> memref<1x128x128xf32, #tpu.memory_space<vmem>>
      %dma_wait3A_463 = tpu.memref_squeeze %dma_wait3A_462 : memref<1x128x128xf32, #tpu.memory_space<vmem>> -> memref<128x128xf32, #tpu.memory_space<vmem>>
      %dma_wait3A_464 = arith.constant 0 : i32
      %dma_wait3A_465 = tpu.memref_slice %arg5[%add3A_457, %dma_wait3A_464] : memref<200x128xi32, #tpu.memory_space<vmem>> -> memref<1x128xi32, #tpu.memory_space<vmem>>
      %dma_wait3A_466 = tpu.memref_squeeze %dma_wait3A_465 : memref<1x128xi32, #tpu.memory_space<vmem>> -> memref<128xi32, #tpu.memory_space<vmem>>
      %dma_wait3A_467 = arith.constant 0 : i32
      %dma_wait3A_468 = arith.constant 0 : i32
      %dma_wait3A_469 = tpu.memref_slice %arg2[%dma_wait3A_467, %dma_wait3A_468] : memref<100000x128xf32, #tpu.memory_space<hbm>> -> memref<100000x128xf32, #tpu.memory_space<hbm>>
      %dma_wait3A_470 = tpu.memref_slice %arg7[%dma_wait3A_459] : memref<3x!tpu.dma_semaphore, #tpu.memory_space<semaphore_mem>> -> memref<1x!tpu.dma_semaphore, #tpu.memory_space<semaphore_mem>>
      %dma_wait3A_471 = tpu.memref_squeeze %dma_wait3A_470 : memref<1x!tpu.dma_semaphore, #tpu.memory_space<semaphore_mem>> -> memref<!tpu.dma_semaphore, #tpu.memory_space<semaphore_mem>>
      tpu.wait_indirect_dma semaphore(%dma_wait3A_471 : memref<!tpu.dma_semaphore, #tpu.memory_space<semaphore_mem>>) src(%dma_wait3A_469 : memref<100000x128xf32, #tpu.memory_space<hbm>>) dst(%dma_wait3A_463 : memref<128x128xf32, #tpu.memory_space<vmem>>)
      %mul3A_472 = arith.constant 2 : i32
      %mul3A_473 = arith.muli %add3A_453, %mul3A_472 : i32
      %add3A_474 = arith.constant 1 : i32
      %add3A_475 = arith.addi %mul3A_473, %add3A_474 : i32
      %dma_wait3A_476 = arith.constant 1 : i32
      %dma_wait3A_477 = arith.constant 1 : i32
      %dma_wait3A_478 = arith.constant 128 : i32
      %dma_wait3A_479 = arith.constant 0 : i32
      %dma_wait3A_480 = tpu.memref_slice %arg6[%dma_wait3A_476, %dma_wait3A_478, %dma_wait3A_479] : memref<3x256x128xf32, #tpu.memory_space<vmem>> -> memref<1x128x128xf32, #tpu.memory_space<vmem>>
      %dma_wait3A_481 = tpu.memref_squeeze %dma_wait3A_480 : memref<1x128x128xf32, #tpu.memory_space<vmem>> -> memref<128x128xf32, #tpu.memory_space<vmem>>
      %dma_wait3A_482 = arith.constant 0 : i32
      %dma_wait3A_483 = tpu.memref_slice %arg5[%add3A_475, %dma_wait3A_482] : memref<200x128xi32, #tpu.memory_space<vmem>> -> memref<1x128xi32, #tpu.memory_space<vmem>>
      %dma_wait3A_484 = tpu.memref_squeeze %dma_wait3A_483 : memref<1x128xi32, #tpu.memory_space<vmem>> -> memref<128xi32, #tpu.memory_space<vmem>>
      %dma_wait3A_485 = arith.constant 0 : i32
      %dma_wait3A_486 = arith.constant 0 : i32
      %dma_wait3A_487 = tpu.memref_slice %arg2[%dma_wait3A_485, %dma_wait3A_486] : memref<100000x128xf32, #tpu.memory_space<hbm>> -> memref<100000x128xf32, #tpu.memory_space<hbm>>
      %dma_wait3A_488 = tpu.memref_slice %arg7[%dma_wait3A_477] : memref<3x!tpu.dma_semaphore, #tpu.memory_space<semaphore_mem>> -> memref<1x!tpu.dma_semaphore, #tpu.memory_space<semaphore_mem>>
      %dma_wait3A_489 = tpu.memref_squeeze %dma_wait3A_488 : memref<1x!tpu.dma_semaphore, #tpu.memory_space<semaphore_mem>> -> memref<!tpu.dma_semaphore, #tpu.memory_space<semaphore_mem>>
      tpu.wait_indirect_dma semaphore(%dma_wait3A_489 : memref<!tpu.dma_semaphore, #tpu.memory_space<semaphore_mem>>) src(%dma_wait3A_487 : memref<100000x128xf32, #tpu.memory_space<hbm>>) dst(%dma_wait3A_481 : memref<128x128xf32, #tpu.memory_space<vmem>>)
      %mul3A_490 = arith.constant 256 : i32
      %mul3A_491 = arith.muli %add3A_453, %mul3A_490 : i32
      %add3A_492 = arith.addi %mul3A_2, %mul3A_491 : i32
      %dma_start3A_493 = arith.constant 1 : i32
      %dma_start3A_494 = arith.constant 1 : i32
      %dma_start3A_495 = arith.constant 0 : i32
      %dma_start3A_496 = arith.constant 0 : i32
      %dma_start3A_497 = tpu.memref_slice %arg6[%dma_start3A_493, %dma_start3A_495, %dma_start3A_496] : memref<3x256x128xf32, #tpu.memory_space<vmem>> -> memref<1x256x128xf32, #tpu.memory_space<vmem>>
      %dma_start3A_498 = tpu.memref_squeeze %dma_start3A_497 : memref<1x256x128xf32, #tpu.memory_space<vmem>> -> memref<256x128xf32, #tpu.memory_space<vmem>>
      %dma_start3A_499 = arith.constant 0 : i32
      %dma_start3A_500 = tpu.memref_slice %arg4[%add3A_492, %dma_start3A_499] : memref<819200x128xf32, #tpu.memory_space<hbm>> -> memref<256x128xf32, #tpu.memory_space<hbm>>
      %dma_start3A_501 = tpu.memref_slice %arg8[%dma_start3A_494] : memref<3x!tpu.dma_semaphore, #tpu.memory_space<semaphore_mem>> -> memref<1x!tpu.dma_semaphore, #tpu.memory_space<semaphore_mem>>
      %dma_start3A_502 = tpu.memref_squeeze %dma_start3A_501 : memref<1x!tpu.dma_semaphore, #tpu.memory_space<semaphore_mem>> -> memref<!tpu.dma_semaphore, #tpu.memory_space<semaphore_mem>>
      %dma_start3A_503 = arith.constant 0 : i32
      %dma_start3A_504 = tpu.memref_slice %arg4[%add3A_492, %dma_start3A_503] : memref<819200x128xf32, #tpu.memory_space<hbm>> -> memref<256x128xf32, #tpu.memory_space<hbm>>
      %dma_start3A_505 = arith.constant 0 : i32
      %dma_start3A_506 = arith.constant 0 : i32
      %dma_start3A_507 = tpu.memref_slice %arg6[%dma_start3A_493, %dma_start3A_505, %dma_start3A_506] : memref<3x256x128xf32, #tpu.memory_space<vmem>> -> memref<1x256x128xf32, #tpu.memory_space<vmem>>
      %dma_start3A_508 = tpu.memref_squeeze %dma_start3A_507 : memref<1x256x128xf32, #tpu.memory_space<vmem>> -> memref<256x128xf32, #tpu.memory_space<vmem>>
      tpu.enqueue_dma source(%dma_start3A_508 : memref<256x128xf32, #tpu.memory_space<vmem>>) target(%dma_start3A_504 : memref<256x128xf32, #tpu.memory_space<hbm>>) target_semaphore(%dma_start3A_502 : memref<!tpu.dma_semaphore, #tpu.memory_space<semaphore_mem>>)
      %mul3A_509 = arith.constant 3 : i32
      %mul3A_510 = arith.muli %scan3A_390, %mul3A_509 : i32
      %add3A_511 = arith.constant 2 : i32
      %add3A_512 = arith.addi %mul3A_510, %add3A_511 : i32
      %mul3A_513 = arith.constant 2 : i32
      %mul3A_514 = arith.muli %add3A_512, %mul3A_513 : i32
      %add3A_515 = arith.constant 0 : i32
      %add3A_516 = arith.addi %mul3A_514, %add3A_515 : i32
      %dma_wait3A_517 = arith.constant 2 : i32
      %dma_wait3A_518 = arith.constant 2 : i32
      %dma_wait3A_519 = arith.constant 0 : i32
      %dma_wait3A_520 = arith.constant 0 : i32
      %dma_wait3A_521 = tpu.memref_slice %arg6[%dma_wait3A_517, %dma_wait3A_519, %dma_wait3A_520] : memref<3x256x128xf32, #tpu.memory_space<vmem>> -> memref<1x128x128xf32, #tpu.memory_space<vmem>>
      %dma_wait3A_522 = tpu.memref_squeeze %dma_wait3A_521 : memref<1x128x128xf32, #tpu.memory_space<vmem>> -> memref<128x128xf32, #tpu.memory_space<vmem>>
      %dma_wait3A_523 = arith.constant 0 : i32
      %dma_wait3A_524 = tpu.memref_slice %arg5[%add3A_516, %dma_wait3A_523] : memref<200x128xi32, #tpu.memory_space<vmem>> -> memref<1x128xi32, #tpu.memory_space<vmem>>
      %dma_wait3A_525 = tpu.memref_squeeze %dma_wait3A_524 : memref<1x128xi32, #tpu.memory_space<vmem>> -> memref<128xi32, #tpu.memory_space<vmem>>
      %dma_wait3A_526 = arith.constant 0 : i32
      %dma_wait3A_527 = arith.constant 0 : i32
      %dma_wait3A_528 = tpu.memref_slice %arg2[%dma_wait3A_526, %dma_wait3A_527] : memref<100000x128xf32, #tpu.memory_space<hbm>> -> memref<100000x128xf32, #tpu.memory_space<hbm>>
      %dma_wait3A_529 = tpu.memref_slice %arg7[%dma_wait3A_518] : memref<3x!tpu.dma_semaphore, #tpu.memory_space<semaphore_mem>> -> memref<1x!tpu.dma_semaphore, #tpu.memory_space<semaphore_mem>>
      %dma_wait3A_530 = tpu.memref_squeeze %dma_wait3A_529 : memref<1x!tpu.dma_semaphore, #tpu.memory_space<semaphore_mem>> -> memref<!tpu.dma_semaphore, #tpu.memory_space<semaphore_mem>>
      tpu.wait_indirect_dma semaphore(%dma_wait3A_530 : memref<!tpu.dma_semaphore, #tpu.memory_space<semaphore_mem>>) src(%dma_wait3A_528 : memref<100000x128xf32, #tpu.memory_space<hbm>>) dst(%dma_wait3A_522 : memref<128x128xf32, #tpu.memory_space<vmem>>)
      %mul3A_531 = arith.constant 2 : i32
      %mul3A_532 = arith.muli %add3A_512, %mul3A_531 : i32
      %add3A_533 = arith.constant 1 : i32
      %add3A_534 = arith.addi %mul3A_532, %add3A_533 : i32
      %dma_wait3A_535 = arith.constant 2 : i32
      %dma_wait3A_536 = arith.constant 2 : i32
      %dma_wait3A_537 = arith.constant 128 : i32
      %dma_wait3A_538 = arith.constant 0 : i32
      %dma_wait3A_539 = tpu.memref_slice %arg6[%dma_wait3A_535, %dma_wait3A_537, %dma_wait3A_538] : memref<3x256x128xf32, #tpu.memory_space<vmem>> -> memref<1x128x128xf32, #tpu.memory_space<vmem>>
      %dma_wait3A_540 = tpu.memref_squeeze %dma_wait3A_539 : memref<1x128x128xf32, #tpu.memory_space<vmem>> -> memref<128x128xf32, #tpu.memory_space<vmem>>
      %dma_wait3A_541 = arith.constant 0 : i32
      %dma_wait3A_542 = tpu.memref_slice %arg5[%add3A_534, %dma_wait3A_541] : memref<200x128xi32, #tpu.memory_space<vmem>> -> memref<1x128xi32, #tpu.memory_space<vmem>>
      %dma_wait3A_543 = tpu.memref_squeeze %dma_wait3A_542 : memref<1x128xi32, #tpu.memory_space<vmem>> -> memref<128xi32, #tpu.memory_space<vmem>>
      %dma_wait3A_544 = arith.constant 0 : i32
      %dma_wait3A_545 = arith.constant 0 : i32
      %dma_wait3A_546 = tpu.memref_slice %arg2[%dma_wait3A_544, %dma_wait3A_545] : memref<100000x128xf32, #tpu.memory_space<hbm>> -> memref<100000x128xf32, #tpu.memory_space<hbm>>
      %dma_wait3A_547 = tpu.memref_slice %arg7[%dma_wait3A_536] : memref<3x!tpu.dma_semaphore, #tpu.memory_space<semaphore_mem>> -> memref<1x!tpu.dma_semaphore, #tpu.memory_space<semaphore_mem>>
      %dma_wait3A_548 = tpu.memref_squeeze %dma_wait3A_547 : memref<1x!tpu.dma_semaphore, #tpu.memory_space<semaphore_mem>> -> memref<!tpu.dma_semaphore, #tpu.memory_space<semaphore_mem>>
      tpu.wait_indirect_dma semaphore(%dma_wait3A_548 : memref<!tpu.dma_semaphore, #tpu.memory_space<semaphore_mem>>) src(%dma_wait3A_546 : memref<100000x128xf32, #tpu.memory_space<hbm>>) dst(%dma_wait3A_540 : memref<128x128xf32, #tpu.memory_space<vmem>>)
      %mul3A_549 = arith.constant 256 : i32
      %mul3A_550 = arith.muli %add3A_512, %mul3A_549 : i32
      %add3A_551 = arith.addi %mul3A_2, %mul3A_550 : i32
      %dma_start3A_552 = arith.constant 2 : i32
      %dma_start3A_553 = arith.constant 2 : i32
      %dma_start3A_554 = arith.constant 0 : i32
      %dma_start3A_555 = arith.constant 0 : i32
      %dma_start3A_556 = tpu.memref_slice %arg6[%dma_start3A_552, %dma_start3A_554, %dma_start3A_555] : memref<3x256x128xf32, #tpu.memory_space<vmem>> -> memref<1x256x128xf32, #tpu.memory_space<vmem>>
      %dma_start3A_557 = tpu.memref_squeeze %dma_start3A_556 : memref<1x256x128xf32, #tpu.memory_space<vmem>> -> memref<256x128xf32, #tpu.memory_space<vmem>>
      %dma_start3A_558 = arith.constant 0 : i32
      %dma_start3A_559 = tpu.memref_slice %arg4[%add3A_551, %dma_start3A_558] : memref<819200x128xf32, #tpu.memory_space<hbm>> -> memref<256x128xf32, #tpu.memory_space<hbm>>
      %dma_start3A_560 = tpu.memref_slice %arg8[%dma_start3A_553] : memref<3x!tpu.dma_semaphore, #tpu.memory_space<semaphore_mem>> -> memref<1x!tpu.dma_semaphore, #tpu.memory_space<semaphore_mem>>
      %dma_start3A_561 = tpu.memref_squeeze %dma_start3A_560 : memref<1x!tpu.dma_semaphore, #tpu.memory_space<semaphore_mem>> -> memref<!tpu.dma_semaphore, #tpu.memory_space<semaphore_mem>>
      %dma_start3A_562 = arith.constant 0 : i32
      %dma_start3A_563 = tpu.memref_slice %arg4[%add3A_551, %dma_start3A_562] : memref<819200x128xf32, #tpu.memory_space<hbm>> -> memref<256x128xf32, #tpu.memory_space<hbm>>
      %dma_start3A_564 = arith.constant 0 : i32
      %dma_start3A_565 = arith.constant 0 : i32
      %dma_start3A_566 = tpu.memref_slice %arg6[%dma_start3A_552, %dma_start3A_564, %dma_start3A_565] : memref<3x256x128xf32, #tpu.memory_space<vmem>> -> memref<1x256x128xf32, #tpu.memory_space<vmem>>
      %dma_start3A_567 = tpu.memref_squeeze %dma_start3A_566 : memref<1x256x128xf32, #tpu.memory_space<vmem>> -> memref<256x128xf32, #tpu.memory_space<vmem>>
      tpu.enqueue_dma source(%dma_start3A_567 : memref<256x128xf32, #tpu.memory_space<vmem>>) target(%dma_start3A_563 : memref<256x128xf32, #tpu.memory_space<hbm>>) target_semaphore(%dma_start3A_561 : memref<!tpu.dma_semaphore, #tpu.memory_space<semaphore_mem>>)
      %mul3A_568 = arith.constant 3 : i32
      %mul3A_569 = arith.muli %scan3A_390, %mul3A_568 : i32
      %add3A_570 = arith.constant 0 : i32
      %add3A_571 = arith.addi %mul3A_569, %add3A_570 : i32
      %mul3A_572 = arith.constant 256 : i32
      %mul3A_573 = arith.muli %add3A_571, %mul3A_572 : i32
      %add3A_574 = arith.addi %mul3A_2, %mul3A_573 : i32
      %dma_wait3A_575 = arith.constant 0 : i32
      %dma_wait3A_576 = arith.constant 0 : i32
      %dma_wait3A_577 = arith.constant 0 : i32
      %dma_wait3A_578 = arith.constant 0 : i32
      %dma_wait3A_579 = tpu.memref_slice %arg6[%dma_wait3A_575, %dma_wait3A_577, %dma_wait3A_578] : memref<3x256x128xf32, #tpu.memory_space<vmem>> -> memref<1x256x128xf32, #tpu.memory_space<vmem>>
      %dma_wait3A_580 = tpu.memref_squeeze %dma_wait3A_579 : memref<1x256x128xf32, #tpu.memory_space<vmem>> -> memref<256x128xf32, #tpu.memory_space<vmem>>
      %dma_wait3A_581 = arith.constant 0 : i32
      %dma_wait3A_582 = tpu.memref_slice %arg4[%add3A_574, %dma_wait3A_581] : memref<819200x128xf32, #tpu.memory_space<hbm>> -> memref<256x128xf32, #tpu.memory_space<hbm>>
      %dma_wait3A_583 = tpu.memref_slice %arg8[%dma_wait3A_576] : memref<3x!tpu.dma_semaphore, #tpu.memory_space<semaphore_mem>> -> memref<1x!tpu.dma_semaphore, #tpu.memory_space<semaphore_mem>>
      %dma_wait3A_584 = tpu.memref_squeeze %dma_wait3A_583 : memref<1x!tpu.dma_semaphore, #tpu.memory_space<semaphore_mem>> -> memref<!tpu.dma_semaphore, #tpu.memory_space<semaphore_mem>>
      %dma_wait3A_585 = arith.constant 0 : i32
      %dma_wait3A_586 = tpu.memref_slice %arg4[%add3A_574, %dma_wait3A_585] : memref<819200x128xf32, #tpu.memory_space<hbm>> -> memref<256x128xf32, #tpu.memory_space<hbm>>
      %dma_wait3A_587 = arith.constant 0 : i32
      %dma_wait3A_588 = arith.constant 0 : i32
      %dma_wait3A_589 = tpu.memref_slice %arg6[%dma_wait3A_575, %dma_wait3A_587, %dma_wait3A_588] : memref<3x256x128xf32, #tpu.memory_space<vmem>> -> memref<1x256x128xf32, #tpu.memory_space<vmem>>
      %dma_wait3A_590 = tpu.memref_squeeze %dma_wait3A_589 : memref<1x256x128xf32, #tpu.memory_space<vmem>> -> memref<256x128xf32, #tpu.memory_space<vmem>>
      tpu.wait_dma2 semaphore(%dma_wait3A_584 : memref<!tpu.dma_semaphore, #tpu.memory_space<semaphore_mem>>) src(%dma_wait3A_590 : memref<256x128xf32, #tpu.memory_space<vmem>>) dst(%dma_wait3A_586 : memref<256x128xf32, #tpu.memory_space<hbm>>)
      %add3A_591 = arith.constant 3 : i32
      %add3A_592 = arith.addi %add3A_571, %add3A_591 : i32
      %mul3A_593 = arith.constant 2 : i32
      %mul3A_594 = arith.muli %add3A_592, %mul3A_593 : i32
      %add3A_595 = arith.constant 0 : i32
      %add3A_596 = arith.addi %mul3A_594, %add3A_595 : i32
      %dma_start3A_597 = arith.constant 0 : i32
      %dma_start3A_598 = arith.constant 0 : i32
      %dma_start3A_599 = arith.constant 0 : i32
      %dma_start3A_600 = arith.constant 0 : i32
      %dma_start3A_601 = tpu.memref_slice %arg6[%dma_start3A_597, %dma_start3A_599, %dma_start3A_600] : memref<3x256x128xf32, #tpu.memory_space<vmem>> -> memref<1x128x128xf32, #tpu.memory_space<vmem>>
      %dma_start3A_602 = tpu.memref_squeeze %dma_start3A_601 : memref<1x128x128xf32, #tpu.memory_space<vmem>> -> memref<128x128xf32, #tpu.memory_space<vmem>>
      %dma_start3A_603 = arith.constant 0 : i32
      %dma_start3A_604 = tpu.memref_slice %arg5[%add3A_596, %dma_start3A_603] : memref<200x128xi32, #tpu.memory_space<vmem>> -> memref<1x128xi32, #tpu.memory_space<vmem>>
      %dma_start3A_605 = tpu.memref_squeeze %dma_start3A_604 : memref<1x128xi32, #tpu.memory_space<vmem>> -> memref<128xi32, #tpu.memory_space<vmem>>
      %dma_start3A_606 = arith.constant 0 : i32
      %dma_start3A_607 = arith.constant 0 : i32
      %dma_start3A_608 = tpu.memref_slice %arg2[%dma_start3A_606, %dma_start3A_607] : memref<100000x128xf32, #tpu.memory_space<hbm>> -> memref<100000x128xf32, #tpu.memory_space<hbm>>
      %dma_start3A_609 = tpu.memref_slice %arg7[%dma_start3A_598] : memref<3x!tpu.dma_semaphore, #tpu.memory_space<semaphore_mem>> -> memref<1x!tpu.dma_semaphore, #tpu.memory_space<semaphore_mem>>
      %dma_start3A_610 = tpu.memref_squeeze %dma_start3A_609 : memref<1x!tpu.dma_semaphore, #tpu.memory_space<semaphore_mem>> -> memref<!tpu.dma_semaphore, #tpu.memory_space<semaphore_mem>>
      tpu.enqueue_indirect_dma source(%dma_start3A_608 : memref<100000x128xf32, #tpu.memory_space<hbm>>) target(%dma_start3A_602 : memref<128x128xf32, #tpu.memory_space<vmem>>) offsets(%dma_start3A_605 : memref<128xi32, #tpu.memory_space<vmem>>) semaphore(%dma_start3A_610 : memref<!tpu.dma_semaphore, #tpu.memory_space<semaphore_mem>>)
      %mul3A_611 = arith.constant 2 : i32
      %mul3A_612 = arith.muli %add3A_592, %mul3A_611 : i32
      %add3A_613 = arith.constant 1 : i32
      %add3A_614 = arith.addi %mul3A_612, %add3A_613 : i32
      %dma_start3A_615 = arith.constant 0 : i32
      %dma_start3A_616 = arith.constant 0 : i32
      %dma_start3A_617 = arith.constant 128 : i32
      %dma_start3A_618 = arith.constant 0 : i32
      %dma_start3A_619 = tpu.memref_slice %arg6[%dma_start3A_615, %dma_start3A_617, %dma_start3A_618] : memref<3x256x128xf32, #tpu.memory_space<vmem>> -> memref<1x128x128xf32, #tpu.memory_space<vmem>>
      %dma_start3A_620 = tpu.memref_squeeze %dma_start3A_619 : memref<1x128x128xf32, #tpu.memory_space<vmem>> -> memref<128x128xf32, #tpu.memory_space<vmem>>
      %dma_start3A_621 = arith.constant 0 : i32
      %dma_start3A_622 = tpu.memref_slice %arg5[%add3A_614, %dma_start3A_621] : memref<200x128xi32, #tpu.memory_space<vmem>> -> memref<1x128xi32, #tpu.memory_space<vmem>>
      %dma_start3A_623 = tpu.memref_squeeze %dma_start3A_622 : memref<1x128xi32, #tpu.memory_space<vmem>> -> memref<128xi32, #tpu.memory_space<vmem>>
      %dma_start3A_624 = arith.constant 0 : i32
      %dma_start3A_625 = arith.constant 0 : i32
      %dma_start3A_626 = tpu.memref_slice %arg2[%dma_start3A_624, %dma_start3A_625] : memref<100000x128xf32, #tpu.memory_space<hbm>> -> memref<100000x128xf32, #tpu.memory_space<hbm>>
      %dma_start3A_627 = tpu.memref_slice %arg7[%dma_start3A_616] : memref<3x!tpu.dma_semaphore, #tpu.memory_space<semaphore_mem>> -> memref<1x!tpu.dma_semaphore, #tpu.memory_space<semaphore_mem>>
      %dma_start3A_628 = tpu.memref_squeeze %dma_start3A_627 : memref<1x!tpu.dma_semaphore, #tpu.memory_space<semaphore_mem>> -> memref<!tpu.dma_semaphore, #tpu.memory_space<semaphore_mem>>
      tpu.enqueue_indirect_dma source(%dma_start3A_626 : memref<100000x128xf32, #tpu.memory_space<hbm>>) target(%dma_start3A_620 : memref<128x128xf32, #tpu.memory_space<vmem>>) offsets(%dma_start3A_623 : memref<128xi32, #tpu.memory_space<vmem>>) semaphore(%dma_start3A_628 : memref<!tpu.dma_semaphore, #tpu.memory_space<semaphore_mem>>)
      %mul3A_629 = arith.constant 3 : i32
      %mul3A_630 = arith.muli %scan3A_390, %mul3A_629 : i32
      %add3A_631 = arith.constant 1 : i32
      %add3A_632 = arith.addi %mul3A_630, %add3A_631 : i32
      %mul3A_633 = arith.constant 256 : i32
      %mul3A_634 = arith.muli %add3A_632, %mul3A_633 : i32
      %add3A_635 = arith.addi %mul3A_2, %mul3A_634 : i32
      %dma_wait3A_636 = arith.constant 1 : i32
      %dma_wait3A_637 = arith.constant 1 : i32
      %dma_wait3A_638 = arith.constant 0 : i32
      %dma_wait3A_639 = arith.constant 0 : i32
      %dma_wait3A_640 = tpu.memref_slice %arg6[%dma_wait3A_636, %dma_wait3A_638, %dma_wait3A_639] : memref<3x256x128xf32, #tpu.memory_space<vmem>> -> memref<1x256x128xf32, #tpu.memory_space<vmem>>
      %dma_wait3A_641 = tpu.memref_squeeze %dma_wait3A_640 : memref<1x256x128xf32, #tpu.memory_space<vmem>> -> memref<256x128xf32, #tpu.memory_space<vmem>>
      %dma_wait3A_642 = arith.constant 0 : i32
      %dma_wait3A_643 = tpu.memref_slice %arg4[%add3A_635, %dma_wait3A_642] : memref<819200x128xf32, #tpu.memory_space<hbm>> -> memref<256x128xf32, #tpu.memory_space<hbm>>
      %dma_wait3A_644 = tpu.memref_slice %arg8[%dma_wait3A_637] : memref<3x!tpu.dma_semaphore, #tpu.memory_space<semaphore_mem>> -> memref<1x!tpu.dma_semaphore, #tpu.memory_space<semaphore_mem>>
      %dma_wait3A_645 = tpu.memref_squeeze %dma_wait3A_644 : memref<1x!tpu.dma_semaphore, #tpu.memory_space<semaphore_mem>> -> memref<!tpu.dma_semaphore, #tpu.memory_space<semaphore_mem>>
      %dma_wait3A_646 = arith.constant 0 : i32
      %dma_wait3A_647 = tpu.memref_slice %arg4[%add3A_635, %dma_wait3A_646] : memref<819200x128xf32, #tpu.memory_space<hbm>> -> memref<256x128xf32, #tpu.memory_space<hbm>>
      %dma_wait3A_648 = arith.constant 0 : i32
      %dma_wait3A_649 = arith.constant 0 : i32
      %dma_wait3A_650 = tpu.memref_slice %arg6[%dma_wait3A_636, %dma_wait3A_648, %dma_wait3A_649] : memref<3x256x128xf32, #tpu.memory_space<vmem>> -> memref<1x256x128xf32, #tpu.memory_space<vmem>>
      %dma_wait3A_651 = tpu.memref_squeeze %dma_wait3A_650 : memref<1x256x128xf32, #tpu.memory_space<vmem>> -> memref<256x128xf32, #tpu.memory_space<vmem>>
      tpu.wait_dma2 semaphore(%dma_wait3A_645 : memref<!tpu.dma_semaphore, #tpu.memory_space<semaphore_mem>>) src(%dma_wait3A_651 : memref<256x128xf32, #tpu.memory_space<vmem>>) dst(%dma_wait3A_647 : memref<256x128xf32, #tpu.memory_space<hbm>>)
      %add3A_652 = arith.constant 3 : i32
      %add3A_653 = arith.addi %add3A_632, %add3A_652 : i32
      %mul3A_654 = arith.constant 2 : i32
      %mul3A_655 = arith.muli %add3A_653, %mul3A_654 : i32
      %add3A_656 = arith.constant 0 : i32
      %add3A_657 = arith.addi %mul3A_655, %add3A_656 : i32
      %dma_start3A_658 = arith.constant 1 : i32
      %dma_start3A_659 = arith.constant 1 : i32
      %dma_start3A_660 = arith.constant 0 : i32
      %dma_start3A_661 = arith.constant 0 : i32
      %dma_start3A_662 = tpu.memref_slice %arg6[%dma_start3A_658, %dma_start3A_660, %dma_start3A_661] : memref<3x256x128xf32, #tpu.memory_space<vmem>> -> memref<1x128x128xf32, #tpu.memory_space<vmem>>
      %dma_start3A_663 = tpu.memref_squeeze %dma_start3A_662 : memref<1x128x128xf32, #tpu.memory_space<vmem>> -> memref<128x128xf32, #tpu.memory_space<vmem>>
      %dma_start3A_664 = arith.constant 0 : i32
      %dma_start3A_665 = tpu.memref_slice %arg5[%add3A_657, %dma_start3A_664] : memref<200x128xi32, #tpu.memory_space<vmem>> -> memref<1x128xi32, #tpu.memory_space<vmem>>
      %dma_start3A_666 = tpu.memref_squeeze %dma_start3A_665 : memref<1x128xi32, #tpu.memory_space<vmem>> -> memref<128xi32, #tpu.memory_space<vmem>>
      %dma_start3A_667 = arith.constant 0 : i32
      %dma_start3A_668 = arith.constant 0 : i32
      %dma_start3A_669 = tpu.memref_slice %arg2[%dma_start3A_667, %dma_start3A_668] : memref<100000x128xf32, #tpu.memory_space<hbm>> -> memref<100000x128xf32, #tpu.memory_space<hbm>>
      %dma_start3A_670 = tpu.memref_slice %arg7[%dma_start3A_659] : memref<3x!tpu.dma_semaphore, #tpu.memory_space<semaphore_mem>> -> memref<1x!tpu.dma_semaphore, #tpu.memory_space<semaphore_mem>>
      %dma_start3A_671 = tpu.memref_squeeze %dma_start3A_670 : memref<1x!tpu.dma_semaphore, #tpu.memory_space<semaphore_mem>> -> memref<!tpu.dma_semaphore, #tpu.memory_space<semaphore_mem>>
      tpu.enqueue_indirect_dma source(%dma_start3A_669 : memref<100000x128xf32, #tpu.memory_space<hbm>>) target(%dma_start3A_663 : memref<128x128xf32, #tpu.memory_space<vmem>>) offsets(%dma_start3A_666 : memref<128xi32, #tpu.memory_space<vmem>>) semaphore(%dma_start3A_671 : memref<!tpu.dma_semaphore, #tpu.memory_space<semaphore_mem>>)
      %mul3A_672 = arith.constant 2 : i32
      %mul3A_673 = arith.muli %add3A_653, %mul3A_672 : i32
      %add3A_674 = arith.constant 1 : i32
      %add3A_675 = arith.addi %mul3A_673, %add3A_674 : i32
      %dma_start3A_676 = arith.constant 1 : i32
      %dma_start3A_677 = arith.constant 1 : i32
      %dma_start3A_678 = arith.constant 128 : i32
      %dma_start3A_679 = arith.constant 0 : i32
      %dma_start3A_680 = tpu.memref_slice %arg6[%dma_start3A_676, %dma_start3A_678, %dma_start3A_679] : memref<3x256x128xf32, #tpu.memory_space<vmem>> -> memref<1x128x128xf32, #tpu.memory_space<vmem>>
      %dma_start3A_681 = tpu.memref_squeeze %dma_start3A_680 : memref<1x128x128xf32, #tpu.memory_space<vmem>> -> memref<128x128xf32, #tpu.memory_space<vmem>>
      %dma_start3A_682 = arith.constant 0 : i32
      %dma_start3A_683 = tpu.memref_slice %arg5[%add3A_675, %dma_start3A_682] : memref<200x128xi32, #tpu.memory_space<vmem>> -> memref<1x128xi32, #tpu.memory_space<vmem>>
      %dma_start3A_684 = tpu.memref_squeeze %dma_start3A_683 : memref<1x128xi32, #tpu.memory_space<vmem>> -> memref<128xi32, #tpu.memory_space<vmem>>
      %dma_start3A_685 = arith.constant 0 : i32
      %dma_start3A_686 = arith.constant 0 : i32
      %dma_start3A_687 = tpu.memref_slice %arg2[%dma_start3A_685, %dma_start3A_686] : memref<100000x128xf32, #tpu.memory_space<hbm>> -> memref<100000x128xf32, #tpu.memory_space<hbm>>
      %dma_start3A_688 = tpu.memref_slice %arg7[%dma_start3A_677] : memref<3x!tpu.dma_semaphore, #tpu.memory_space<semaphore_mem>> -> memref<1x!tpu.dma_semaphore, #tpu.memory_space<semaphore_mem>>
      %dma_start3A_689 = tpu.memref_squeeze %dma_start3A_688 : memref<1x!tpu.dma_semaphore, #tpu.memory_space<semaphore_mem>> -> memref<!tpu.dma_semaphore, #tpu.memory_space<semaphore_mem>>
      tpu.enqueue_indirect_dma source(%dma_start3A_687 : memref<100000x128xf32, #tpu.memory_space<hbm>>) target(%dma_start3A_681 : memref<128x128xf32, #tpu.memory_space<vmem>>) offsets(%dma_start3A_684 : memref<128xi32, #tpu.memory_space<vmem>>) semaphore(%dma_start3A_689 : memref<!tpu.dma_semaphore, #tpu.memory_space<semaphore_mem>>)
      %mul3A_690 = arith.constant 3 : i32
      %mul3A_691 = arith.muli %scan3A_390, %mul3A_690 : i32
      %add3A_692 = arith.constant 2 : i32
      %add3A_693 = arith.addi %mul3A_691, %add3A_692 : i32
      %mul3A_694 = arith.constant 256 : i32
      %mul3A_695 = arith.muli %add3A_693, %mul3A_694 : i32
      %add3A_696 = arith.addi %mul3A_2, %mul3A_695 : i32
      %dma_wait3A_697 = arith.constant 2 : i32
      %dma_wait3A_698 = arith.constant 2 : i32
      %dma_wait3A_699 = arith.constant 0 : i32
      %dma_wait3A_700 = arith.constant 0 : i32
      %dma_wait3A_701 = tpu.memref_slice %arg6[%dma_wait3A_697, %dma_wait3A_699, %dma_wait3A_700] : memref<3x256x128xf32, #tpu.memory_space<vmem>> -> memref<1x256x128xf32, #tpu.memory_space<vmem>>
      %dma_wait3A_702 = tpu.memref_squeeze %dma_wait3A_701 : memref<1x256x128xf32, #tpu.memory_space<vmem>> -> memref<256x128xf32, #tpu.memory_space<vmem>>
      %dma_wait3A_703 = arith.constant 0 : i32
      %dma_wait3A_704 = tpu.memref_slice %arg4[%add3A_696, %dma_wait3A_703] : memref<819200x128xf32, #tpu.memory_space<hbm>> -> memref<256x128xf32, #tpu.memory_space<hbm>>
      %dma_wait3A_705 = tpu.memref_slice %arg8[%dma_wait3A_698] : memref<3x!tpu.dma_semaphore, #tpu.memory_space<semaphore_mem>> -> memref<1x!tpu.dma_semaphore, #tpu.memory_space<semaphore_mem>>
      %dma_wait3A_706 = tpu.memref_squeeze %dma_wait3A_705 : memref<1x!tpu.dma_semaphore, #tpu.memory_space<semaphore_mem>> -> memref<!tpu.dma_semaphore, #tpu.memory_space<semaphore_mem>>
      %dma_wait3A_707 = arith.constant 0 : i32
      %dma_wait3A_708 = tpu.memref_slice %arg4[%add3A_696, %dma_wait3A_707] : memref<819200x128xf32, #tpu.memory_space<hbm>> -> memref<256x128xf32, #tpu.memory_space<hbm>>
      %dma_wait3A_709 = arith.constant 0 : i32
      %dma_wait3A_710 = arith.constant 0 : i32
      %dma_wait3A_711 = tpu.memref_slice %arg6[%dma_wait3A_697, %dma_wait3A_709, %dma_wait3A_710] : memref<3x256x128xf32, #tpu.memory_space<vmem>> -> memref<1x256x128xf32, #tpu.memory_space<vmem>>
      %dma_wait3A_712 = tpu.memref_squeeze %dma_wait3A_711 : memref<1x256x128xf32, #tpu.memory_space<vmem>> -> memref<256x128xf32, #tpu.memory_space<vmem>>
      tpu.wait_dma2 semaphore(%dma_wait3A_706 : memref<!tpu.dma_semaphore, #tpu.memory_space<semaphore_mem>>) src(%dma_wait3A_712 : memref<256x128xf32, #tpu.memory_space<vmem>>) dst(%dma_wait3A_708 : memref<256x128xf32, #tpu.memory_space<hbm>>)
      %add3A_713 = arith.constant 3 : i32
      %add3A_714 = arith.addi %add3A_693, %add3A_713 : i32
      %mul3A_715 = arith.constant 2 : i32
      %mul3A_716 = arith.muli %add3A_714, %mul3A_715 : i32
      %add3A_717 = arith.constant 0 : i32
      %add3A_718 = arith.addi %mul3A_716, %add3A_717 : i32
      %dma_start3A_719 = arith.constant 2 : i32
      %dma_start3A_720 = arith.constant 2 : i32
      %dma_start3A_721 = arith.constant 0 : i32
      %dma_start3A_722 = arith.constant 0 : i32
      %dma_start3A_723 = tpu.memref_slice %arg6[%dma_start3A_719, %dma_start3A_721, %dma_start3A_722] : memref<3x256x128xf32, #tpu.memory_space<vmem>> -> memref<1x128x128xf32, #tpu.memory_space<vmem>>
      %dma_start3A_724 = tpu.memref_squeeze %dma_start3A_723 : memref<1x128x128xf32, #tpu.memory_space<vmem>> -> memref<128x128xf32, #tpu.memory_space<vmem>>
      %dma_start3A_725 = arith.constant 0 : i32
      %dma_start3A_726 = tpu.memref_slice %arg5[%add3A_718, %dma_start3A_725] : memref<200x128xi32, #tpu.memory_space<vmem>> -> memref<1x128xi32, #tpu.memory_space<vmem>>
      %dma_start3A_727 = tpu.memref_squeeze %dma_start3A_726 : memref<1x128xi32, #tpu.memory_space<vmem>> -> memref<128xi32, #tpu.memory_space<vmem>>
      %dma_start3A_728 = arith.constant 0 : i32
      %dma_start3A_729 = arith.constant 0 : i32
      %dma_start3A_730 = tpu.memref_slice %arg2[%dma_start3A_728, %dma_start3A_729] : memref<100000x128xf32, #tpu.memory_space<hbm>> -> memref<100000x128xf32, #tpu.memory_space<hbm>>
      %dma_start3A_731 = tpu.memref_slice %arg7[%dma_start3A_720] : memref<3x!tpu.dma_semaphore, #tpu.memory_space<semaphore_mem>> -> memref<1x!tpu.dma_semaphore, #tpu.memory_space<semaphore_mem>>
      %dma_start3A_732 = tpu.memref_squeeze %dma_start3A_731 : memref<1x!tpu.dma_semaphore, #tpu.memory_space<semaphore_mem>> -> memref<!tpu.dma_semaphore, #tpu.memory_space<semaphore_mem>>
      tpu.enqueue_indirect_dma source(%dma_start3A_730 : memref<100000x128xf32, #tpu.memory_space<hbm>>) target(%dma_start3A_724 : memref<128x128xf32, #tpu.memory_space<vmem>>) offsets(%dma_start3A_727 : memref<128xi32, #tpu.memory_space<vmem>>) semaphore(%dma_start3A_732 : memref<!tpu.dma_semaphore, #tpu.memory_space<semaphore_mem>>)
      %mul3A_733 = arith.constant 2 : i32
      %mul3A_734 = arith.muli %add3A_714, %mul3A_733 : i32
      %add3A_735 = arith.constant 1 : i32
      %add3A_736 = arith.addi %mul3A_734, %add3A_735 : i32
      %dma_start3A_737 = arith.constant 2 : i32
      %dma_start3A_738 = arith.constant 2 : i32
      %dma_start3A_739 = arith.constant 128 : i32
      %dma_start3A_740 = arith.constant 0 : i32
      %dma_start3A_741 = tpu.memref_slice %arg6[%dma_start3A_737, %dma_start3A_739, %dma_start3A_740] : memref<3x256x128xf32, #tpu.memory_space<vmem>> -> memref<1x128x128xf32, #tpu.memory_space<vmem>>
      %dma_start3A_742 = tpu.memref_squeeze %dma_start3A_741 : memref<1x128x128xf32, #tpu.memory_space<vmem>> -> memref<128x128xf32, #tpu.memory_space<vmem>>
      %dma_start3A_743 = arith.constant 0 : i32
      %dma_start3A_744 = tpu.memref_slice %arg5[%add3A_736, %dma_start3A_743] : memref<200x128xi32, #tpu.memory_space<vmem>> -> memref<1x128xi32, #tpu.memory_space<vmem>>
      %dma_start3A_745 = tpu.memref_squeeze %dma_start3A_744 : memref<1x128xi32, #tpu.memory_space<vmem>> -> memref<128xi32, #tpu.memory_space<vmem>>
      %dma_start3A_746 = arith.constant 0 : i32
      %dma_start3A_747 = arith.constant 0 : i32
      %dma_start3A_748 = tpu.memref_slice %arg2[%dma_start3A_746, %dma_start3A_747] : memref<100000x128xf32, #tpu.memory_space<hbm>> -> memref<100000x128xf32, #tpu.memory_space<hbm>>
      %dma_start3A_749 = tpu.memref_slice %arg7[%dma_start3A_738] : memref<3x!tpu.dma_semaphore, #tpu.memory_space<semaphore_mem>> -> memref<1x!tpu.dma_semaphore, #tpu.memory_space<semaphore_mem>>
      %dma_start3A_750 = tpu.memref_squeeze %dma_start3A_749 : memref<1x!tpu.dma_semaphore, #tpu.memory_space<semaphore_mem>> -> memref<!tpu.dma_semaphore, #tpu.memory_space<semaphore_mem>>
      tpu.enqueue_indirect_dma source(%dma_start3A_748 : memref<100000x128xf32, #tpu.memory_space<hbm>>) target(%dma_start3A_742 : memref<128x128xf32, #tpu.memory_space<vmem>>) offsets(%dma_start3A_745 : memref<128xi32, #tpu.memory_space<vmem>>) semaphore(%dma_start3A_750 : memref<!tpu.dma_semaphore, #tpu.memory_space<semaphore_mem>>)
    }
    %scan3A_96 = arith.constant 32 : i32
    %dma_wait3A = arith.constant 192 : i32
    %dma_wait3A_97 = arith.constant 0 : i32
    %dma_wait3A_98 = arith.constant 0 : i32
    %dma_wait3A_99 = arith.constant 0 : i32
    %dma_wait3A_100 = arith.constant 0 : i32
    %dma_wait3A_101 = tpu.memref_slice %arg6[%dma_wait3A_97, %dma_wait3A_99, %dma_wait3A_100] : memref<3x256x128xf32, #tpu.memory_space<vmem>> -> memref<1x128x128xf32, #tpu.memory_space<vmem>>
    %dma_wait3A_102 = tpu.memref_squeeze %dma_wait3A_101 : memref<1x128x128xf32, #tpu.memory_space<vmem>> -> memref<128x128xf32, #tpu.memory_space<vmem>>
    %dma_wait3A_103 = arith.constant 0 : i32
    %dma_wait3A_104 = tpu.memref_slice %arg5[%dma_wait3A, %dma_wait3A_103] : memref<200x128xi32, #tpu.memory_space<vmem>> -> memref<1x128xi32, #tpu.memory_space<vmem>>
    %dma_wait3A_105 = tpu.memref_squeeze %dma_wait3A_104 : memref<1x128xi32, #tpu.memory_space<vmem>> -> memref<128xi32, #tpu.memory_space<vmem>>
    %dma_wait3A_106 = arith.constant 0 : i32
    %dma_wait3A_107 = arith.constant 0 : i32
    %dma_wait3A_108 = tpu.memref_slice %arg2[%dma_wait3A_106, %dma_wait3A_107] : memref<100000x128xf32, #tpu.memory_space<hbm>> -> memref<100000x128xf32, #tpu.memory_space<hbm>>
    %dma_wait3A_109 = tpu.memref_slice %arg7[%dma_wait3A_98] : memref<3x!tpu.dma_semaphore, #tpu.memory_space<semaphore_mem>> -> memref<1x!tpu.dma_semaphore, #tpu.memory_space<semaphore_mem>>
    %dma_wait3A_110 = tpu.memref_squeeze %dma_wait3A_109 : memref<1x!tpu.dma_semaphore, #tpu.memory_space<semaphore_mem>> -> memref<!tpu.dma_semaphore, #tpu.memory_space<semaphore_mem>>
    tpu.wait_indirect_dma semaphore(%dma_wait3A_110 : memref<!tpu.dma_semaphore, #tpu.memory_space<semaphore_mem>>) src(%dma_wait3A_108 : memref<100000x128xf32, #tpu.memory_space<hbm>>) dst(%dma_wait3A_102 : memref<128x128xf32, #tpu.memory_space<vmem>>)
    %dma_wait3A_111 = arith.constant 193 : i32
    %dma_wait3A_112 = arith.constant 0 : i32
    %dma_wait3A_113 = arith.constant 0 : i32
    %dma_wait3A_114 = arith.constant 128 : i32
    %dma_wait3A_115 = arith.constant 0 : i32
    %dma_wait3A_116 = tpu.memref_slice %arg6[%dma_wait3A_112, %dma_wait3A_114, %dma_wait3A_115] : memref<3x256x128xf32, #tpu.memory_space<vmem>> -> memref<1x128x128xf32, #tpu.memory_space<vmem>>
    %dma_wait3A_117 = tpu.memref_squeeze %dma_wait3A_116 : memref<1x128x128xf32, #tpu.memory_space<vmem>> -> memref<128x128xf32, #tpu.memory_space<vmem>>
    %dma_wait3A_118 = arith.constant 0 : i32
    %dma_wait3A_119 = tpu.memref_slice %arg5[%dma_wait3A_111, %dma_wait3A_118] : memref<200x128xi32, #tpu.memory_space<vmem>> -> memref<1x128xi32, #tpu.memory_space<vmem>>
    %dma_wait3A_120 = tpu.memref_squeeze %dma_wait3A_119 : memref<1x128xi32, #tpu.memory_space<vmem>> -> memref<128xi32, #tpu.memory_space<vmem>>
    %dma_wait3A_121 = arith.constant 0 : i32
    %dma_wait3A_122 = arith.constant 0 : i32
    %dma_wait3A_123 = tpu.memref_slice %arg2[%dma_wait3A_121, %dma_wait3A_122] : memref<100000x128xf32, #tpu.memory_space<hbm>> -> memref<100000x128xf32, #tpu.memory_space<hbm>>
    %dma_wait3A_124 = tpu.memref_slice %arg7[%dma_wait3A_113] : memref<3x!tpu.dma_semaphore, #tpu.memory_space<semaphore_mem>> -> memref<1x!tpu.dma_semaphore, #tpu.memory_space<semaphore_mem>>
    %dma_wait3A_125 = tpu.memref_squeeze %dma_wait3A_124 : memref<1x!tpu.dma_semaphore, #tpu.memory_space<semaphore_mem>> -> memref<!tpu.dma_semaphore, #tpu.memory_space<semaphore_mem>>
    tpu.wait_indirect_dma semaphore(%dma_wait3A_125 : memref<!tpu.dma_semaphore, #tpu.memory_space<semaphore_mem>>) src(%dma_wait3A_123 : memref<100000x128xf32, #tpu.memory_space<hbm>>) dst(%dma_wait3A_117 : memref<128x128xf32, #tpu.memory_space<vmem>>)
    %add3A_126 = arith.constant 24576 : i32
    %add3A_127 = arith.addi %mul3A_2, %add3A_126 : i32
    %dma_start3A_128 = arith.constant 0 : i32
    %dma_start3A_129 = arith.constant 0 : i32
    %dma_start3A_130 = arith.constant 0 : i32
    %dma_start3A_131 = arith.constant 0 : i32
    %dma_start3A_132 = tpu.memref_slice %arg6[%dma_start3A_128, %dma_start3A_130, %dma_start3A_131] : memref<3x256x128xf32, #tpu.memory_space<vmem>> -> memref<1x256x128xf32, #tpu.memory_space<vmem>>
    %dma_start3A_133 = tpu.memref_squeeze %dma_start3A_132 : memref<1x256x128xf32, #tpu.memory_space<vmem>> -> memref<256x128xf32, #tpu.memory_space<vmem>>
    %dma_start3A_134 = arith.constant 0 : i32
    %dma_start3A_135 = tpu.memref_slice %arg4[%add3A_127, %dma_start3A_134] : memref<819200x128xf32, #tpu.memory_space<hbm>> -> memref<256x128xf32, #tpu.memory_space<hbm>>
    %dma_start3A_136 = tpu.memref_slice %arg8[%dma_start3A_129] : memref<3x!tpu.dma_semaphore, #tpu.memory_space<semaphore_mem>> -> memref<1x!tpu.dma_semaphore, #tpu.memory_space<semaphore_mem>>
    %dma_start3A_137 = tpu.memref_squeeze %dma_start3A_136 : memref<1x!tpu.dma_semaphore, #tpu.memory_space<semaphore_mem>> -> memref<!tpu.dma_semaphore, #tpu.memory_space<semaphore_mem>>
    %dma_start3A_138 = arith.constant 0 : i32
    %dma_start3A_139 = tpu.memref_slice %arg4[%add3A_127, %dma_start3A_138] : memref<819200x128xf32, #tpu.memory_space<hbm>> -> memref<256x128xf32, #tpu.memory_space<hbm>>
    %dma_start3A_140 = arith.constant 0 : i32
    %dma_start3A_141 = arith.constant 0 : i32
    %dma_start3A_142 = tpu.memref_slice %arg6[%dma_start3A_128, %dma_start3A_140, %dma_start3A_141] : memref<3x256x128xf32, #tpu.memory_space<vmem>> -> memref<1x256x128xf32, #tpu.memory_space<vmem>>
    %dma_start3A_143 = tpu.memref_squeeze %dma_start3A_142 : memref<1x256x128xf32, #tpu.memory_space<vmem>> -> memref<256x128xf32, #tpu.memory_space<vmem>>
    tpu.enqueue_dma source(%dma_start3A_143 : memref<256x128xf32, #tpu.memory_space<vmem>>) target(%dma_start3A_139 : memref<256x128xf32, #tpu.memory_space<hbm>>) target_semaphore(%dma_start3A_137 : memref<!tpu.dma_semaphore, #tpu.memory_space<semaphore_mem>>)
    %add3A_144 = arith.constant 24576 : i32
    %add3A_145 = arith.addi %mul3A_2, %add3A_144 : i32
    %dma_wait3A_146 = arith.constant 0 : i32
    %dma_wait3A_147 = arith.constant 0 : i32
    %dma_wait3A_148 = arith.constant 0 : i32
    %dma_wait3A_149 = arith.constant 0 : i32
    %dma_wait3A_150 = tpu.memref_slice %arg6[%dma_wait3A_146, %dma_wait3A_148, %dma_wait3A_149] : memref<3x256x128xf32, #tpu.memory_space<vmem>> -> memref<1x256x128xf32, #tpu.memory_space<vmem>>
    %dma_wait3A_151 = tpu.memref_squeeze %dma_wait3A_150 : memref<1x256x128xf32, #tpu.memory_space<vmem>> -> memref<256x128xf32, #tpu.memory_space<vmem>>
    %dma_wait3A_152 = arith.constant 0 : i32
    %dma_wait3A_153 = tpu.memref_slice %arg4[%add3A_145, %dma_wait3A_152] : memref<819200x128xf32, #tpu.memory_space<hbm>> -> memref<256x128xf32, #tpu.memory_space<hbm>>
    %dma_wait3A_154 = tpu.memref_slice %arg8[%dma_wait3A_147] : memref<3x!tpu.dma_semaphore, #tpu.memory_space<semaphore_mem>> -> memref<1x!tpu.dma_semaphore, #tpu.memory_space<semaphore_mem>>
    %dma_wait3A_155 = tpu.memref_squeeze %dma_wait3A_154 : memref<1x!tpu.dma_semaphore, #tpu.memory_space<semaphore_mem>> -> memref<!tpu.dma_semaphore, #tpu.memory_space<semaphore_mem>>
    %dma_wait3A_156 = arith.constant 0 : i32
    %dma_wait3A_157 = tpu.memref_slice %arg4[%add3A_145, %dma_wait3A_156] : memref<819200x128xf32, #tpu.memory_space<hbm>> -> memref<256x128xf32, #tpu.memory_space<hbm>>
    %dma_wait3A_158 = arith.constant 0 : i32
    %dma_wait3A_159 = arith.constant 0 : i32
    %dma_wait3A_160 = tpu.memref_slice %arg6[%dma_wait3A_146, %dma_wait3A_158, %dma_wait3A_159] : memref<3x256x128xf32, #tpu.memory_space<vmem>> -> memref<1x256x128xf32, #tpu.memory_space<vmem>>
    %dma_wait3A_161 = tpu.memref_squeeze %dma_wait3A_160 : memref<1x256x128xf32, #tpu.memory_space<vmem>> -> memref<256x128xf32, #tpu.memory_space<vmem>>
    tpu.wait_dma2 semaphore(%dma_wait3A_155 : memref<!tpu.dma_semaphore, #tpu.memory_space<semaphore_mem>>) src(%dma_wait3A_161 : memref<256x128xf32, #tpu.memory_space<vmem>>) dst(%dma_wait3A_157 : memref<256x128xf32, #tpu.memory_space<hbm>>)
    %dma_start3A_162 = arith.constant 198 : i32
    %dma_start3A_163 = arith.constant 0 : i32
    %dma_start3A_164 = arith.constant 0 : i32
    %dma_start3A_165 = arith.constant 0 : i32
    %dma_start3A_166 = arith.constant 0 : i32
    %dma_start3A_167 = tpu.memref_slice %arg6[%dma_start3A_163, %dma_start3A_165, %dma_start3A_166] : memref<3x256x128xf32, #tpu.memory_space<vmem>> -> memref<1x128x128xf32, #tpu.memory_space<vmem>>
    %dma_start3A_168 = tpu.memref_squeeze %dma_start3A_167 : memref<1x128x128xf32, #tpu.memory_space<vmem>> -> memref<128x128xf32, #tpu.memory_space<vmem>>
    %dma_start3A_169 = arith.constant 0 : i32
    %dma_start3A_170 = tpu.memref_slice %arg5[%dma_start3A_162, %dma_start3A_169] : memref<200x128xi32, #tpu.memory_space<vmem>> -> memref<1x128xi32, #tpu.memory_space<vmem>>
    %dma_start3A_171 = tpu.memref_squeeze %dma_start3A_170 : memref<1x128xi32, #tpu.memory_space<vmem>> -> memref<128xi32, #tpu.memory_space<vmem>>
    %dma_start3A_172 = arith.constant 0 : i32
    %dma_start3A_173 = arith.constant 0 : i32
    %dma_start3A_174 = tpu.memref_slice %arg2[%dma_start3A_172, %dma_start3A_173] : memref<100000x128xf32, #tpu.memory_space<hbm>> -> memref<100000x128xf32, #tpu.memory_space<hbm>>
    %dma_start3A_175 = tpu.memref_slice %arg7[%dma_start3A_164] : memref<3x!tpu.dma_semaphore, #tpu.memory_space<semaphore_mem>> -> memref<1x!tpu.dma_semaphore, #tpu.memory_space<semaphore_mem>>
    %dma_start3A_176 = tpu.memref_squeeze %dma_start3A_175 : memref<1x!tpu.dma_semaphore, #tpu.memory_space<semaphore_mem>> -> memref<!tpu.dma_semaphore, #tpu.memory_space<semaphore_mem>>
    tpu.enqueue_indirect_dma source(%dma_start3A_174 : memref<100000x128xf32, #tpu.memory_space<hbm>>) target(%dma_start3A_168 : memref<128x128xf32, #tpu.memory_space<vmem>>) offsets(%dma_start3A_171 : memref<128xi32, #tpu.memory_space<vmem>>) semaphore(%dma_start3A_176 : memref<!tpu.dma_semaphore, #tpu.memory_space<semaphore_mem>>)
    %dma_start3A_177 = arith.constant 199 : i32
    %dma_start3A_178 = arith.constant 0 : i32
    %dma_start3A_179 = arith.constant 0 : i32
    %dma_start3A_180 = arith.constant 128 : i32
    %dma_start3A_181 = arith.constant 0 : i32
    %dma_start3A_182 = tpu.memref_slice %arg6[%dma_start3A_178, %dma_start3A_180, %dma_start3A_181] : memref<3x256x128xf32, #tpu.memory_space<vmem>> -> memref<1x128x128xf32, #tpu.memory_space<vmem>>
    %dma_start3A_183 = tpu.memref_squeeze %dma_start3A_182 : memref<1x128x128xf32, #tpu.memory_space<vmem>> -> memref<128x128xf32, #tpu.memory_space<vmem>>
    %dma_start3A_184 = arith.constant 0 : i32
    %dma_start3A_185 = tpu.memref_slice %arg5[%dma_start3A_177, %dma_start3A_184] : memref<200x128xi32, #tpu.memory_space<vmem>> -> memref<1x128xi32, #tpu.memory_space<vmem>>
    %dma_start3A_186 = tpu.memref_squeeze %dma_start3A_185 : memref<1x128xi32, #tpu.memory_space<vmem>> -> memref<128xi32, #tpu.memory_space<vmem>>
    %dma_start3A_187 = arith.constant 0 : i32
    %dma_start3A_188 = arith.constant 0 : i32
    %dma_start3A_189 = tpu.memref_slice %arg2[%dma_start3A_187, %dma_start3A_188] : memref<100000x128xf32, #tpu.memory_space<hbm>> -> memref<100000x128xf32, #tpu.memory_space<hbm>>
    %dma_start3A_190 = tpu.memref_slice %arg7[%dma_start3A_179] : memref<3x!tpu.dma_semaphore, #tpu.memory_space<semaphore_mem>> -> memref<1x!tpu.dma_semaphore, #tpu.memory_space<semaphore_mem>>
    %dma_start3A_191 = tpu.memref_squeeze %dma_start3A_190 : memref<1x!tpu.dma_semaphore, #tpu.memory_space<semaphore_mem>> -> memref<!tpu.dma_semaphore, #tpu.memory_space<semaphore_mem>>
    tpu.enqueue_indirect_dma source(%dma_start3A_189 : memref<100000x128xf32, #tpu.memory_space<hbm>>) target(%dma_start3A_183 : memref<128x128xf32, #tpu.memory_space<vmem>>) offsets(%dma_start3A_186 : memref<128xi32, #tpu.memory_space<vmem>>) semaphore(%dma_start3A_191 : memref<!tpu.dma_semaphore, #tpu.memory_space<semaphore_mem>>)
    %dma_wait3A_192 = arith.constant 194 : i32
    %dma_wait3A_193 = arith.constant 1 : i32
    %dma_wait3A_194 = arith.constant 1 : i32
    %dma_wait3A_195 = arith.constant 0 : i32
    %dma_wait3A_196 = arith.constant 0 : i32
    %dma_wait3A_197 = tpu.memref_slice %arg6[%dma_wait3A_193, %dma_wait3A_195, %dma_wait3A_196] : memref<3x256x128xf32, #tpu.memory_space<vmem>> -> memref<1x128x128xf32, #tpu.memory_space<vmem>>
    %dma_wait3A_198 = tpu.memref_squeeze %dma_wait3A_197 : memref<1x128x128xf32, #tpu.memory_space<vmem>> -> memref<128x128xf32, #tpu.memory_space<vmem>>
    %dma_wait3A_199 = arith.constant 0 : i32
    %dma_wait3A_200 = tpu.memref_slice %arg5[%dma_wait3A_192, %dma_wait3A_199] : memref<200x128xi32, #tpu.memory_space<vmem>> -> memref<1x128xi32, #tpu.memory_space<vmem>>
    %dma_wait3A_201 = tpu.memref_squeeze %dma_wait3A_200 : memref<1x128xi32, #tpu.memory_space<vmem>> -> memref<128xi32, #tpu.memory_space<vmem>>
    %dma_wait3A_202 = arith.constant 0 : i32
    %dma_wait3A_203 = arith.constant 0 : i32
    %dma_wait3A_204 = tpu.memref_slice %arg2[%dma_wait3A_202, %dma_wait3A_203] : memref<100000x128xf32, #tpu.memory_space<hbm>> -> memref<100000x128xf32, #tpu.memory_space<hbm>>
    %dma_wait3A_205 = tpu.memref_slice %arg7[%dma_wait3A_194] : memref<3x!tpu.dma_semaphore, #tpu.memory_space<semaphore_mem>> -> memref<1x!tpu.dma_semaphore, #tpu.memory_space<semaphore_mem>>
    %dma_wait3A_206 = tpu.memref_squeeze %dma_wait3A_205 : memref<1x!tpu.dma_semaphore, #tpu.memory_space<semaphore_mem>> -> memref<!tpu.dma_semaphore, #tpu.memory_space<semaphore_mem>>
    tpu.wait_indirect_dma semaphore(%dma_wait3A_206 : memref<!tpu.dma_semaphore, #tpu.memory_space<semaphore_mem>>) src(%dma_wait3A_204 : memref<100000x128xf32, #tpu.memory_space<hbm>>) dst(%dma_wait3A_198 : memref<128x128xf32, #tpu.memory_space<vmem>>)
    %dma_wait3A_207 = arith.constant 195 : i32
    %dma_wait3A_208 = arith.constant 1 : i32
    %dma_wait3A_209 = arith.constant 1 : i32
    %dma_wait3A_210 = arith.constant 128 : i32
    %dma_wait3A_211 = arith.constant 0 : i32
    %dma_wait3A_212 = tpu.memref_slice %arg6[%dma_wait3A_208, %dma_wait3A_210, %dma_wait3A_211] : memref<3x256x128xf32, #tpu.memory_space<vmem>> -> memref<1x128x128xf32, #tpu.memory_space<vmem>>
    %dma_wait3A_213 = tpu.memref_squeeze %dma_wait3A_212 : memref<1x128x128xf32, #tpu.memory_space<vmem>> -> memref<128x128xf32, #tpu.memory_space<vmem>>
    %dma_wait3A_214 = arith.constant 0 : i32
    %dma_wait3A_215 = tpu.memref_slice %arg5[%dma_wait3A_207, %dma_wait3A_214] : memref<200x128xi32, #tpu.memory_space<vmem>> -> memref<1x128xi32, #tpu.memory_space<vmem>>
    %dma_wait3A_216 = tpu.memref_squeeze %dma_wait3A_215 : memref<1x128xi32, #tpu.memory_space<vmem>> -> memref<128xi32, #tpu.memory_space<vmem>>
    %dma_wait3A_217 = arith.constant 0 : i32
    %dma_wait3A_218 = arith.constant 0 : i32
    %dma_wait3A_219 = tpu.memref_slice %arg2[%dma_wait3A_217, %dma_wait3A_218] : memref<100000x128xf32, #tpu.memory_space<hbm>> -> memref<100000x128xf32, #tpu.memory_space<hbm>>
    %dma_wait3A_220 = tpu.memref_slice %arg7[%dma_wait3A_209] : memref<3x!tpu.dma_semaphore, #tpu.memory_space<semaphore_mem>> -> memref<1x!tpu.dma_semaphore, #tpu.memory_space<semaphore_mem>>
    %dma_wait3A_221 = tpu.memref_squeeze %dma_wait3A_220 : memref<1x!tpu.dma_semaphore, #tpu.memory_space<semaphore_mem>> -> memref<!tpu.dma_semaphore, #tpu.memory_space<semaphore_mem>>
    tpu.wait_indirect_dma semaphore(%dma_wait3A_221 : memref<!tpu.dma_semaphore, #tpu.memory_space<semaphore_mem>>) src(%dma_wait3A_219 : memref<100000x128xf32, #tpu.memory_space<hbm>>) dst(%dma_wait3A_213 : memref<128x128xf32, #tpu.memory_space<vmem>>)
    %add3A_222 = arith.constant 24832 : i32
    %add3A_223 = arith.addi %mul3A_2, %add3A_222 : i32
    %dma_start3A_224 = arith.constant 1 : i32
    %dma_start3A_225 = arith.constant 1 : i32
    %dma_start3A_226 = arith.constant 0 : i32
    %dma_start3A_227 = arith.constant 0 : i32
    %dma_start3A_228 = tpu.memref_slice %arg6[%dma_start3A_224, %dma_start3A_226, %dma_start3A_227] : memref<3x256x128xf32, #tpu.memory_space<vmem>> -> memref<1x256x128xf32, #tpu.memory_space<vmem>>
    %dma_start3A_229 = tpu.memref_squeeze %dma_start3A_228 : memref<1x256x128xf32, #tpu.memory_space<vmem>> -> memref<256x128xf32, #tpu.memory_space<vmem>>
    %dma_start3A_230 = arith.constant 0 : i32
    %dma_start3A_231 = tpu.memref_slice %arg4[%add3A_223, %dma_start3A_230] : memref<819200x128xf32, #tpu.memory_space<hbm>> -> memref<256x128xf32, #tpu.memory_space<hbm>>
    %dma_start3A_232 = tpu.memref_slice %arg8[%dma_start3A_225] : memref<3x!tpu.dma_semaphore, #tpu.memory_space<semaphore_mem>> -> memref<1x!tpu.dma_semaphore, #tpu.memory_space<semaphore_mem>>
    %dma_start3A_233 = tpu.memref_squeeze %dma_start3A_232 : memref<1x!tpu.dma_semaphore, #tpu.memory_space<semaphore_mem>> -> memref<!tpu.dma_semaphore, #tpu.memory_space<semaphore_mem>>
    %dma_start3A_234 = arith.constant 0 : i32
    %dma_start3A_235 = tpu.memref_slice %arg4[%add3A_223, %dma_start3A_234] : memref<819200x128xf32, #tpu.memory_space<hbm>> -> memref<256x128xf32, #tpu.memory_space<hbm>>
    %dma_start3A_236 = arith.constant 0 : i32
    %dma_start3A_237 = arith.constant 0 : i32
    %dma_start3A_238 = tpu.memref_slice %arg6[%dma_start3A_224, %dma_start3A_236, %dma_start3A_237] : memref<3x256x128xf32, #tpu.memory_space<vmem>> -> memref<1x256x128xf32, #tpu.memory_space<vmem>>
    %dma_start3A_239 = tpu.memref_squeeze %dma_start3A_238 : memref<1x256x128xf32, #tpu.memory_space<vmem>> -> memref<256x128xf32, #tpu.memory_space<vmem>>
    tpu.enqueue_dma source(%dma_start3A_239 : memref<256x128xf32, #tpu.memory_space<vmem>>) target(%dma_start3A_235 : memref<256x128xf32, #tpu.memory_space<hbm>>) target_semaphore(%dma_start3A_233 : memref<!tpu.dma_semaphore, #tpu.memory_space<semaphore_mem>>)
    %dma_wait3A_240 = arith.constant 196 : i32
    %dma_wait3A_241 = arith.constant 2 : i32
    %dma_wait3A_242 = arith.constant 2 : i32
    %dma_wait3A_243 = arith.constant 0 : i32
    %dma_wait3A_244 = arith.constant 0 : i32
    %dma_wait3A_245 = tpu.memref_slice %arg6[%dma_wait3A_241, %dma_wait3A_243, %dma_wait3A_244] : memref<3x256x128xf32, #tpu.memory_space<vmem>> -> memref<1x128x128xf32, #tpu.memory_space<vmem>>
    %dma_wait3A_246 = tpu.memref_squeeze %dma_wait3A_245 : memref<1x128x128xf32, #tpu.memory_space<vmem>> -> memref<128x128xf32, #tpu.memory_space<vmem>>
    %dma_wait3A_247 = arith.constant 0 : i32
    %dma_wait3A_248 = tpu.memref_slice %arg5[%dma_wait3A_240, %dma_wait3A_247] : memref<200x128xi32, #tpu.memory_space<vmem>> -> memref<1x128xi32, #tpu.memory_space<vmem>>
    %dma_wait3A_249 = tpu.memref_squeeze %dma_wait3A_248 : memref<1x128xi32, #tpu.memory_space<vmem>> -> memref<128xi32, #tpu.memory_space<vmem>>
    %dma_wait3A_250 = arith.constant 0 : i32
    %dma_wait3A_251 = arith.constant 0 : i32
    %dma_wait3A_252 = tpu.memref_slice %arg2[%dma_wait3A_250, %dma_wait3A_251] : memref<100000x128xf32, #tpu.memory_space<hbm>> -> memref<100000x128xf32, #tpu.memory_space<hbm>>
    %dma_wait3A_253 = tpu.memref_slice %arg7[%dma_wait3A_242] : memref<3x!tpu.dma_semaphore, #tpu.memory_space<semaphore_mem>> -> memref<1x!tpu.dma_semaphore, #tpu.memory_space<semaphore_mem>>
    %dma_wait3A_254 = tpu.memref_squeeze %dma_wait3A_253 : memref<1x!tpu.dma_semaphore, #tpu.memory_space<semaphore_mem>> -> memref<!tpu.dma_semaphore, #tpu.memory_space<semaphore_mem>>
    tpu.wait_indirect_dma semaphore(%dma_wait3A_254 : memref<!tpu.dma_semaphore, #tpu.memory_space<semaphore_mem>>) src(%dma_wait3A_252 : memref<100000x128xf32, #tpu.memory_space<hbm>>) dst(%dma_wait3A_246 : memref<128x128xf32, #tpu.memory_space<vmem>>)
    %dma_wait3A_255 = arith.constant 197 : i32
    %dma_wait3A_256 = arith.constant 2 : i32
    %dma_wait3A_257 = arith.constant 2 : i32
    %dma_wait3A_258 = arith.constant 128 : i32
    %dma_wait3A_259 = arith.constant 0 : i32
    %dma_wait3A_260 = tpu.memref_slice %arg6[%dma_wait3A_256, %dma_wait3A_258, %dma_wait3A_259] : memref<3x256x128xf32, #tpu.memory_space<vmem>> -> memref<1x128x128xf32, #tpu.memory_space<vmem>>
    %dma_wait3A_261 = tpu.memref_squeeze %dma_wait3A_260 : memref<1x128x128xf32, #tpu.memory_space<vmem>> -> memref<128x128xf32, #tpu.memory_space<vmem>>
    %dma_wait3A_262 = arith.constant 0 : i32
    %dma_wait3A_263 = tpu.memref_slice %arg5[%dma_wait3A_255, %dma_wait3A_262] : memref<200x128xi32, #tpu.memory_space<vmem>> -> memref<1x128xi32, #tpu.memory_space<vmem>>
    %dma_wait3A_264 = tpu.memref_squeeze %dma_wait3A_263 : memref<1x128xi32, #tpu.memory_space<vmem>> -> memref<128xi32, #tpu.memory_space<vmem>>
    %dma_wait3A_265 = arith.constant 0 : i32
    %dma_wait3A_266 = arith.constant 0 : i32
    %dma_wait3A_267 = tpu.memref_slice %arg2[%dma_wait3A_265, %dma_wait3A_266] : memref<100000x128xf32, #tpu.memory_space<hbm>> -> memref<100000x128xf32, #tpu.memory_space<hbm>>
    %dma_wait3A_268 = tpu.memref_slice %arg7[%dma_wait3A_257] : memref<3x!tpu.dma_semaphore, #tpu.memory_space<semaphore_mem>> -> memref<1x!tpu.dma_semaphore, #tpu.memory_space<semaphore_mem>>
    %dma_wait3A_269 = tpu.memref_squeeze %dma_wait3A_268 : memref<1x!tpu.dma_semaphore, #tpu.memory_space<semaphore_mem>> -> memref<!tpu.dma_semaphore, #tpu.memory_space<semaphore_mem>>
    tpu.wait_indirect_dma semaphore(%dma_wait3A_269 : memref<!tpu.dma_semaphore, #tpu.memory_space<semaphore_mem>>) src(%dma_wait3A_267 : memref<100000x128xf32, #tpu.memory_space<hbm>>) dst(%dma_wait3A_261 : memref<128x128xf32, #tpu.memory_space<vmem>>)
    %add3A_270 = arith.constant 25088 : i32
    %add3A_271 = arith.addi %mul3A_2, %add3A_270 : i32
    %dma_start3A_272 = arith.constant 2 : i32
    %dma_start3A_273 = arith.constant 2 : i32
    %dma_start3A_274 = arith.constant 0 : i32
    %dma_start3A_275 = arith.constant 0 : i32
    %dma_start3A_276 = tpu.memref_slice %arg6[%dma_start3A_272, %dma_start3A_274, %dma_start3A_275] : memref<3x256x128xf32, #tpu.memory_space<vmem>> -> memref<1x256x128xf32, #tpu.memory_space<vmem>>
    %dma_start3A_277 = tpu.memref_squeeze %dma_start3A_276 : memref<1x256x128xf32, #tpu.memory_space<vmem>> -> memref<256x128xf32, #tpu.memory_space<vmem>>
    %dma_start3A_278 = arith.constant 0 : i32
    %dma_start3A_279 = tpu.memref_slice %arg4[%add3A_271, %dma_start3A_278] : memref<819200x128xf32, #tpu.memory_space<hbm>> -> memref<256x128xf32, #tpu.memory_space<hbm>>
    %dma_start3A_280 = tpu.memref_slice %arg8[%dma_start3A_273] : memref<3x!tpu.dma_semaphore, #tpu.memory_space<semaphore_mem>> -> memref<1x!tpu.dma_semaphore, #tpu.memory_space<semaphore_mem>>
    %dma_start3A_281 = tpu.memref_squeeze %dma_start3A_280 : memref<1x!tpu.dma_semaphore, #tpu.memory_space<semaphore_mem>> -> memref<!tpu.dma_semaphore, #tpu.memory_space<semaphore_mem>>
    %dma_start3A_282 = arith.constant 0 : i32
    %dma_start3A_283 = tpu.memref_slice %arg4[%add3A_271, %dma_start3A_282] : memref<819200x128xf32, #tpu.memory_space<hbm>> -> memref<256x128xf32, #tpu.memory_space<hbm>>
    %dma_start3A_284 = arith.constant 0 : i32
    %dma_start3A_285 = arith.constant 0 : i32
    %dma_start3A_286 = tpu.memref_slice %arg6[%dma_start3A_272, %dma_start3A_284, %dma_start3A_285] : memref<3x256x128xf32, #tpu.memory_space<vmem>> -> memref<1x256x128xf32, #tpu.memory_space<vmem>>
    %dma_start3A_287 = tpu.memref_squeeze %dma_start3A_286 : memref<1x256x128xf32, #tpu.memory_space<vmem>> -> memref<256x128xf32, #tpu.memory_space<vmem>>
    tpu.enqueue_dma source(%dma_start3A_287 : memref<256x128xf32, #tpu.memory_space<vmem>>) target(%dma_start3A_283 : memref<256x128xf32, #tpu.memory_space<hbm>>) target_semaphore(%dma_start3A_281 : memref<!tpu.dma_semaphore, #tpu.memory_space<semaphore_mem>>)
    %dma_wait3A_288 = arith.constant 198 : i32
    %dma_wait3A_289 = arith.constant 0 : i32
    %dma_wait3A_290 = arith.constant 0 : i32
    %dma_wait3A_291 = arith.constant 0 : i32
    %dma_wait3A_292 = arith.constant 0 : i32
    %dma_wait3A_293 = tpu.memref_slice %arg6[%dma_wait3A_289, %dma_wait3A_291, %dma_wait3A_292] : memref<3x256x128xf32, #tpu.memory_space<vmem>> -> memref<1x128x128xf32, #tpu.memory_space<vmem>>
    %dma_wait3A_294 = tpu.memref_squeeze %dma_wait3A_293 : memref<1x128x128xf32, #tpu.memory_space<vmem>> -> memref<128x128xf32, #tpu.memory_space<vmem>>
    %dma_wait3A_295 = arith.constant 0 : i32
    %dma_wait3A_296 = tpu.memref_slice %arg5[%dma_wait3A_288, %dma_wait3A_295] : memref<200x128xi32, #tpu.memory_space<vmem>> -> memref<1x128xi32, #tpu.memory_space<vmem>>
    %dma_wait3A_297 = tpu.memref_squeeze %dma_wait3A_296 : memref<1x128xi32, #tpu.memory_space<vmem>> -> memref<128xi32, #tpu.memory_space<vmem>>
    %dma_wait3A_298 = arith.constant 0 : i32
    %dma_wait3A_299 = arith.constant 0 : i32
    %dma_wait3A_300 = tpu.memref_slice %arg2[%dma_wait3A_298, %dma_wait3A_299] : memref<100000x128xf32, #tpu.memory_space<hbm>> -> memref<100000x128xf32, #tpu.memory_space<hbm>>
    %dma_wait3A_301 = tpu.memref_slice %arg7[%dma_wait3A_290] : memref<3x!tpu.dma_semaphore, #tpu.memory_space<semaphore_mem>> -> memref<1x!tpu.dma_semaphore, #tpu.memory_space<semaphore_mem>>
    %dma_wait3A_302 = tpu.memref_squeeze %dma_wait3A_301 : memref<1x!tpu.dma_semaphore, #tpu.memory_space<semaphore_mem>> -> memref<!tpu.dma_semaphore, #tpu.memory_space<semaphore_mem>>
    tpu.wait_indirect_dma semaphore(%dma_wait3A_302 : memref<!tpu.dma_semaphore, #tpu.memory_space<semaphore_mem>>) src(%dma_wait3A_300 : memref<100000x128xf32, #tpu.memory_space<hbm>>) dst(%dma_wait3A_294 : memref<128x128xf32, #tpu.memory_space<vmem>>)
    %dma_wait3A_303 = arith.constant 199 : i32
    %dma_wait3A_304 = arith.constant 0 : i32
    %dma_wait3A_305 = arith.constant 0 : i32
    %dma_wait3A_306 = arith.constant 128 : i32
    %dma_wait3A_307 = arith.constant 0 : i32
    %dma_wait3A_308 = tpu.memref_slice %arg6[%dma_wait3A_304, %dma_wait3A_306, %dma_wait3A_307] : memref<3x256x128xf32, #tpu.memory_space<vmem>> -> memref<1x128x128xf32, #tpu.memory_space<vmem>>
    %dma_wait3A_309 = tpu.memref_squeeze %dma_wait3A_308 : memref<1x128x128xf32, #tpu.memory_space<vmem>> -> memref<128x128xf32, #tpu.memory_space<vmem>>
    %dma_wait3A_310 = arith.constant 0 : i32
    %dma_wait3A_311 = tpu.memref_slice %arg5[%dma_wait3A_303, %dma_wait3A_310] : memref<200x128xi32, #tpu.memory_space<vmem>> -> memref<1x128xi32, #tpu.memory_space<vmem>>
    %dma_wait3A_312 = tpu.memref_squeeze %dma_wait3A_311 : memref<1x128xi32, #tpu.memory_space<vmem>> -> memref<128xi32, #tpu.memory_space<vmem>>
    %dma_wait3A_313 = arith.constant 0 : i32
    %dma_wait3A_314 = arith.constant 0 : i32
    %dma_wait3A_315 = tpu.memref_slice %arg2[%dma_wait3A_313, %dma_wait3A_314] : memref<100000x128xf32, #tpu.memory_space<hbm>> -> memref<100000x128xf32, #tpu.memory_space<hbm>>
    %dma_wait3A_316 = tpu.memref_slice %arg7[%dma_wait3A_305] : memref<3x!tpu.dma_semaphore, #tpu.memory_space<semaphore_mem>> -> memref<1x!tpu.dma_semaphore, #tpu.memory_space<semaphore_mem>>
    %dma_wait3A_317 = tpu.memref_squeeze %dma_wait3A_316 : memref<1x!tpu.dma_semaphore, #tpu.memory_space<semaphore_mem>> -> memref<!tpu.dma_semaphore, #tpu.memory_space<semaphore_mem>>
    tpu.wait_indirect_dma semaphore(%dma_wait3A_317 : memref<!tpu.dma_semaphore, #tpu.memory_space<semaphore_mem>>) src(%dma_wait3A_315 : memref<100000x128xf32, #tpu.memory_space<hbm>>) dst(%dma_wait3A_309 : memref<128x128xf32, #tpu.memory_space<vmem>>)
    %add3A_318 = arith.constant 25344 : i32
    %add3A_319 = arith.addi %mul3A_2, %add3A_318 : i32
    %dma_start3A_320 = arith.constant 0 : i32
    %dma_start3A_321 = arith.constant 0 : i32
    %dma_start3A_322 = arith.constant 0 : i32
    %dma_start3A_323 = arith.constant 0 : i32
    %dma_start3A_324 = tpu.memref_slice %arg6[%dma_start3A_320, %dma_start3A_322, %dma_start3A_323] : memref<3x256x128xf32, #tpu.memory_space<vmem>> -> memref<1x256x128xf32, #tpu.memory_space<vmem>>
    %dma_start3A_325 = tpu.memref_squeeze %dma_start3A_324 : memref<1x256x128xf32, #tpu.memory_space<vmem>> -> memref<256x128xf32, #tpu.memory_space<vmem>>
    %dma_start3A_326 = arith.constant 0 : i32
    %dma_start3A_327 = tpu.memref_slice %arg4[%add3A_319, %dma_start3A_326] : memref<819200x128xf32, #tpu.memory_space<hbm>> -> memref<256x128xf32, #tpu.memory_space<hbm>>
    %dma_start3A_328 = tpu.memref_slice %arg8[%dma_start3A_321] : memref<3x!tpu.dma_semaphore, #tpu.memory_space<semaphore_mem>> -> memref<1x!tpu.dma_semaphore, #tpu.memory_space<semaphore_mem>>
    %dma_start3A_329 = tpu.memref_squeeze %dma_start3A_328 : memref<1x!tpu.dma_semaphore, #tpu.memory_space<semaphore_mem>> -> memref<!tpu.dma_semaphore, #tpu.memory_space<semaphore_mem>>
    %dma_start3A_330 = arith.constant 0 : i32
    %dma_start3A_331 = tpu.memref_slice %arg4[%add3A_319, %dma_start3A_330] : memref<819200x128xf32, #tpu.memory_space<hbm>> -> memref<256x128xf32, #tpu.memory_space<hbm>>
    %dma_start3A_332 = arith.constant 0 : i32
    %dma_start3A_333 = arith.constant 0 : i32
    %dma_start3A_334 = tpu.memref_slice %arg6[%dma_start3A_320, %dma_start3A_332, %dma_start3A_333] : memref<3x256x128xf32, #tpu.memory_space<vmem>> -> memref<1x256x128xf32, #tpu.memory_space<vmem>>
    %dma_start3A_335 = tpu.memref_squeeze %dma_start3A_334 : memref<1x256x128xf32, #tpu.memory_space<vmem>> -> memref<256x128xf32, #tpu.memory_space<vmem>>
    tpu.enqueue_dma source(%dma_start3A_335 : memref<256x128xf32, #tpu.memory_space<vmem>>) target(%dma_start3A_331 : memref<256x128xf32, #tpu.memory_space<hbm>>) target_semaphore(%dma_start3A_329 : memref<!tpu.dma_semaphore, #tpu.memory_space<semaphore_mem>>)
    %add3A_336 = arith.constant 24832 : i32
    %add3A_337 = arith.addi %mul3A_2, %add3A_336 : i32
    %dma_wait3A_338 = arith.constant 1 : i32
    %dma_wait3A_339 = arith.constant 1 : i32
    %dma_wait3A_340 = arith.constant 0 : i32
    %dma_wait3A_341 = arith.constant 0 : i32
    %dma_wait3A_342 = tpu.memref_slice %arg6[%dma_wait3A_338, %dma_wait3A_340, %dma_wait3A_341] : memref<3x256x128xf32, #tpu.memory_space<vmem>> -> memref<1x256x128xf32, #tpu.memory_space<vmem>>
    %dma_wait3A_343 = tpu.memref_squeeze %dma_wait3A_342 : memref<1x256x128xf32, #tpu.memory_space<vmem>> -> memref<256x128xf32, #tpu.memory_space<vmem>>
    %dma_wait3A_344 = arith.constant 0 : i32
    %dma_wait3A_345 = tpu.memref_slice %arg4[%add3A_337, %dma_wait3A_344] : memref<819200x128xf32, #tpu.memory_space<hbm>> -> memref<256x128xf32, #tpu.memory_space<hbm>>
    %dma_wait3A_346 = tpu.memref_slice %arg8[%dma_wait3A_339] : memref<3x!tpu.dma_semaphore, #tpu.memory_space<semaphore_mem>> -> memref<1x!tpu.dma_semaphore, #tpu.memory_space<semaphore_mem>>
    %dma_wait3A_347 = tpu.memref_squeeze %dma_wait3A_346 : memref<1x!tpu.dma_semaphore, #tpu.memory_space<semaphore_mem>> -> memref<!tpu.dma_semaphore, #tpu.memory_space<semaphore_mem>>
    %dma_wait3A_348 = arith.constant 0 : i32
    %dma_wait3A_349 = tpu.memref_slice %arg4[%add3A_337, %dma_wait3A_348] : memref<819200x128xf32, #tpu.memory_space<hbm>> -> memref<256x128xf32, #tpu.memory_space<hbm>>
    %dma_wait3A_350 = arith.constant 0 : i32
    %dma_wait3A_351 = arith.constant 0 : i32
    %dma_wait3A_352 = tpu.memref_slice %arg6[%dma_wait3A_338, %dma_wait3A_350, %dma_wait3A_351] : memref<3x256x128xf32, #tpu.memory_space<vmem>> -> memref<1x256x128xf32, #tpu.memory_space<vmem>>
    %dma_wait3A_353 = tpu.memref_squeeze %dma_wait3A_352 : memref<1x256x128xf32, #tpu.memory_space<vmem>> -> memref<256x128xf32, #tpu.memory_space<vmem>>
    tpu.wait_dma2 semaphore(%dma_wait3A_347 : memref<!tpu.dma_semaphore, #tpu.memory_space<semaphore_mem>>) src(%dma_wait3A_353 : memref<256x128xf32, #tpu.memory_space<vmem>>) dst(%dma_wait3A_349 : memref<256x128xf32, #tpu.memory_space<hbm>>)
    %add3A_354 = arith.constant 25088 : i32
    %add3A_355 = arith.addi %mul3A_2, %add3A_354 : i32
    %dma_wait3A_356 = arith.constant 2 : i32
    %dma_wait3A_357 = arith.constant 2 : i32
    %dma_wait3A_358 = arith.constant 0 : i32
    %dma_wait3A_359 = arith.constant 0 : i32
    %dma_wait3A_360 = tpu.memref_slice %arg6[%dma_wait3A_356, %dma_wait3A_358, %dma_wait3A_359] : memref<3x256x128xf32, #tpu.memory_space<vmem>> -> memref<1x256x128xf32, #tpu.memory_space<vmem>>
    %dma_wait3A_361 = tpu.memref_squeeze %dma_wait3A_360 : memref<1x256x128xf32, #tpu.memory_space<vmem>> -> memref<256x128xf32, #tpu.memory_space<vmem>>
    %dma_wait3A_362 = arith.constant 0 : i32
    %dma_wait3A_363 = tpu.memref_slice %arg4[%add3A_355, %dma_wait3A_362] : memref<819200x128xf32, #tpu.memory_space<hbm>> -> memref<256x128xf32, #tpu.memory_space<hbm>>
    %dma_wait3A_364 = tpu.memref_slice %arg8[%dma_wait3A_357] : memref<3x!tpu.dma_semaphore, #tpu.memory_space<semaphore_mem>> -> memref<1x!tpu.dma_semaphore, #tpu.memory_space<semaphore_mem>>
    %dma_wait3A_365 = tpu.memref_squeeze %dma_wait3A_364 : memref<1x!tpu.dma_semaphore, #tpu.memory_space<semaphore_mem>> -> memref<!tpu.dma_semaphore, #tpu.memory_space<semaphore_mem>>
    %dma_wait3A_366 = arith.constant 0 : i32
    %dma_wait3A_367 = tpu.memref_slice %arg4[%add3A_355, %dma_wait3A_366] : memref<819200x128xf32, #tpu.memory_space<hbm>> -> memref<256x128xf32, #tpu.memory_space<hbm>>
    %dma_wait3A_368 = arith.constant 0 : i32
    %dma_wait3A_369 = arith.constant 0 : i32
    %dma_wait3A_370 = tpu.memref_slice %arg6[%dma_wait3A_356, %dma_wait3A_368, %dma_wait3A_369] : memref<3x256x128xf32, #tpu.memory_space<vmem>> -> memref<1x256x128xf32, #tpu.memory_space<vmem>>
    %dma_wait3A_371 = tpu.memref_squeeze %dma_wait3A_370 : memref<1x256x128xf32, #tpu.memory_space<vmem>> -> memref<256x128xf32, #tpu.memory_space<vmem>>
    tpu.wait_dma2 semaphore(%dma_wait3A_365 : memref<!tpu.dma_semaphore, #tpu.memory_space<semaphore_mem>>) src(%dma_wait3A_371 : memref<256x128xf32, #tpu.memory_space<vmem>>) dst(%dma_wait3A_367 : memref<256x128xf32, #tpu.memory_space<hbm>>)
    %add3A_372 = arith.constant 25344 : i32
    %add3A_373 = arith.addi %mul3A_2, %add3A_372 : i32
    %dma_wait3A_374 = arith.constant 0 : i32
    %dma_wait3A_375 = arith.constant 0 : i32
    %dma_wait3A_376 = arith.constant 0 : i32
    %dma_wait3A_377 = arith.constant 0 : i32
    %dma_wait3A_378 = tpu.memref_slice %arg6[%dma_wait3A_374, %dma_wait3A_376, %dma_wait3A_377] : memref<3x256x128xf32, #tpu.memory_space<vmem>> -> memref<1x256x128xf32, #tpu.memory_space<vmem>>
    %dma_wait3A_379 = tpu.memref_squeeze %dma_wait3A_378 : memref<1x256x128xf32, #tpu.memory_space<vmem>> -> memref<256x128xf32, #tpu.memory_space<vmem>>
    %dma_wait3A_380 = arith.constant 0 : i32
    %dma_wait3A_381 = tpu.memref_slice %arg4[%add3A_373, %dma_wait3A_380] : memref<819200x128xf32, #tpu.memory_space<hbm>> -> memref<256x128xf32, #tpu.memory_space<hbm>>
    %dma_wait3A_382 = tpu.memref_slice %arg8[%dma_wait3A_375] : memref<3x!tpu.dma_semaphore, #tpu.memory_space<semaphore_mem>> -> memref<1x!tpu.dma_semaphore, #tpu.memory_space<semaphore_mem>>
    %dma_wait3A_383 = tpu.memref_squeeze %dma_wait3A_382 : memref<1x!tpu.dma_semaphore, #tpu.memory_space<semaphore_mem>> -> memref<!tpu.dma_semaphore, #tpu.memory_space<semaphore_mem>>
    %dma_wait3A_384 = arith.constant 0 : i32
    %dma_wait3A_385 = tpu.memref_slice %arg4[%add3A_373, %dma_wait3A_384] : memref<819200x128xf32, #tpu.memory_space<hbm>> -> memref<256x128xf32, #tpu.memory_space<hbm>>
    %dma_wait3A_386 = arith.constant 0 : i32
    %dma_wait3A_387 = arith.constant 0 : i32
    %dma_wait3A_388 = tpu.memref_slice %arg6[%dma_wait3A_374, %dma_wait3A_386, %dma_wait3A_387] : memref<3x256x128xf32, #tpu.memory_space<vmem>> -> memref<1x256x128xf32, #tpu.memory_space<vmem>>
    %dma_wait3A_389 = tpu.memref_squeeze %dma_wait3A_388 : memref<1x256x128xf32, #tpu.memory_space<vmem>> -> memref<256x128xf32, #tpu.memory_space<vmem>>
    tpu.wait_dma2 semaphore(%dma_wait3A_383 : memref<!tpu.dma_semaphore, #tpu.memory_space<semaphore_mem>>) src(%dma_wait3A_389 : memref<256x128xf32, #tpu.memory_space<vmem>>) dst(%dma_wait3A_385 : memref<256x128xf32, #tpu.memory_space<hbm>>)
    return
  }
}

</mosaic_0001>

<sc_bundles>
// kernel: kernel.3.cloned.1.call-start
scs
__scs_entry_jumppad:
0x0: {  	(pc) =	sbr.rel $0x88, $3  }
0x1: {  	(tag) =	ssettag $0x0;
	lr =	simm.s32 $0x1  }
0x2: {  	[smem:$0x3F9F] =	sst lr;
	_ =	strace $0xD0000000  }
0x3: {  	_ = 	snop  }
0x4: {  	_ = 	snop  }
0x5: {  	_ = 	snop  }
0x6: {  	_ = 	snop  }
0x7: {  	_ = 	snop  }
__scs_overlays_trampoline_lowered:
0x8: {  	[smem:$0x3FAE] =	sst s0  }
0x9: {  	[smem:$0x3FAF] =	sst s1  }
0xa: {  	[smem:$0x3FB0] =	sst s2  }
0xb: {  	[smem:$0x3FB1] =	sst s3  }
0xc: {  	[smem:$0x3FB2] =	sst s4  }
0xd: {  	[smem:$0x3FB3] =	sst s5  }
0xe: {  	[smem:$0x3FB4] =	sst s6  }
0xf: {  	[smem:$0x3FB5] =	sst s7  }
0x10: {  	[smem:$0x3FB6] =	sst s8  }
0x11: {  	[smem:$0x3FB7] =	sst s9;
	s0 =	simm.s32 @!p0 $0x0  }
0x12: {  	s1 =	sld [smem:$0x3F9D];
	s0 =	simm.s32 @p0 $0x1  }
0x13: {  	[smem:$0x3FB8] =	sst s0;
	s0 =	simm.s32 @!p1 $0x0  }
0x14: {  	s2 =	sld [smem:$0x3F9C];
	s0 =	simm.s32 @p1 $0x1  }
0x15: {  	[smem:$0x3FB9] =	sst s0;
	s0 =	simm.s32 @!p2 $0x0  }
0x16: {  	s3 =	sld [smem:$0x3FDB];
	s0 =	simm.s32 @p2 $0x1  }
0x17: {  	s4 =	simm.s32 $0x1BF5;
	[smem:$0x3FBB] =	sst s0  }
0x18: {  	s0 =	sld [smem:$0x3F9E];
	_ =	swait.ge [sflag:s4], $0x0  }
0x19: {  	s7 =	sld [smem:$0x3F9F]  }
0x1a: {  	s8 =	sadd.s32 $0xFFFFE003, lr  }
0x1b: {  	s9 =	sadd.s32 $0xFFFFFEF7, lr;
	s5 =	simm.s32 $0xFFFFFFFF;
	p2 =	slt.u32 s8, $0xFFFFF086  }
0x1c: {  	p1 =	slt.u32 s9, $0xF7A;
	s5 =	simm.s32 @!p2 $0x0  }
0x1d: {  	s5 =	simm.s32 @p1 $0x1;
	p0 =	seq.s32 s7, s2  }
0x1e: {  	s7 =	smul.u32 @!p0 $0xF7A, s2;
	p2 =	seq.s32 @!p0 s5, $0x0  }
0x1f: {  	s9 =	smul.u32 $0xF7A, s1;
	s8 =	simm.s32 @!p0 $0x1BF5;
	p2 =	por !p2, p0  }
0x20: {  	[sflag:s8] =	ssyncset.s32 @!p0 $0xFFFFF086;
	s6 =	sadd.s32 @!p0 s3, s7;
	s7 =	simm.s32 @!p0 $0x108  }
0x21: {  	s3 =	sadd.s32 s3, s9;
	s6 =	sadd.s32 @!p0 $0x88, s6;
	s7 =	simm.s32 @p2 $0x1082  }
0x22: {  	[simem:s7], [sflag:s8] =	dma.local @!p0 [hbm:s6], $0xF7A  }
0x23: {  	s9 =	sor.u32 $0xD0000000, s2;
	s6 =	simm.s32 $0x108;
	_ =	swait.ge @!p0 [sflag:s8], $0x0  }
0x24: {  	s3 =	sadd.s32 $0x88, s3;
	s6 =	simm.s32 @!p1 $0x1082;
	[sflag:s4] =	ssyncset.s32 $0xFFFFF086  }
0x25: {  	[simem:s6], [sflag:s4] =	dma.local [hbm:s3], $0xF7A  }
0x26: {  	[smem:$0x3F9F] =	sst s1;
	(tag) =	ssettag s2;
	_ =	strace s9  }
0x27: {  	s1 =	sld [smem:$0x3FAF]  }
0x28: {  	s2 =	sld [smem:$0x3FB0]  }
0x29: {  	s4 =	sld [smem:$0x3FB2]  }
0x2a: {  	p0 =	seq.s32 s5, $0x0;
	s5 =	sld [smem:$0x3FB3]  }
0x2b: {  	s6 =	sld [smem:$0x3FB4]  }
0x2c: {  	s7 =	sld [smem:$0x3FB5]  }
0x2d: {  	s3 =	simm.s32 $0x108;
	s8 =	sld [smem:$0x3FB6]  }
0x2e: {  	s3 =	simm.s32 @!p0 $0x1082;
	s9 =	sld [smem:$0x3FB7]  }
0x2f: {  	lr =	sadd.s32 s0, s3;
	s0 =	sld [smem:$0x3FAE]  }
0x30: {  	s3 =	sld [smem:$0x3FB1]  }
0x31: {  	[smem:$0x3FBA] =	sst s10  }
0x32: {  	s10 =	sld [smem:$0x3FB8];
	_ =	sdelay $0x3  }
0x33: {  	p0 =	seq.s32 s10, $0x1;
	s10 =	sld [smem:$0x3FBA];
	_ =	sdelay $0x3  }
0x34: {  	[smem:$0x3FBA] =	sst s10  }
0x35: {  	s10 =	sld [smem:$0x3FB9];
	_ =	sdelay $0x3  }
0x36: {  	p1 =	seq.s32 s10, $0x1;
	s10 =	sld [smem:$0x3FBA];
	_ =	sdelay $0x3  }
0x37: {  	[smem:$0x3FBA] =	sst s10  }
0x38: {  	s10 =	sld [smem:$0x3FBB]  }
0x39: {  	_ = 	snop;
	(pc) =	sbr.ind lr, $3  }
0x3a: {  	_ = 	snop  }
0x3b: {  	_ = 	snop  }
0x3c: {  	p2 =	seq.s32 s10, $0x1;
	s10 =	sld [smem:$0x3FBA]  }
0x3d: {  	_ =	shalt  }
0x3e: {  	_ =	shalt  }
0x3f: {  	_ =	shalt  }
0x40: {  	_ =	shalt  }
0x41: {  	_ =	shalt  }
0x42: {  	_ =	shalt  }
0x43: {  	_ =	shalt  }
0x44: {  	_ =	shalt  }
0x45: {  	_ =	shalt  }
0x46: {  	_ =	shalt  }
0x47: {  	_ =	shalt  }
0x48: {  	_ =	shalt  }
0x49: {  	_ =	shalt  }
0x4a: {  	_ =	shalt  }
0x4b: {  	_ =	shalt  }
0x4c: {  	_ =	shalt  }
0x4d: {  	_ =	shalt  }
0x4e: {  	_ =	shalt  }
0x4f: {  	_ =	shalt  }
0x50: {  	_ =	shalt  }
0x51: {  	_ =	shalt  }
0x52: {  	_ =	shalt  }
0x53: {  	_ =	shalt  }
0x54: {  	_ =	shalt  }
0x55: {  	_ =	shalt  }
0x56: {  	_ =	shalt  }
0x57: {  	_ =	shalt  }
0x58: {  	_ =	shalt  }
0x59: {  	_ =	shalt  }
0x5a: {  	_ =	shalt  }
0x5b: {  	_ =	shalt  }
0x5c: {  	_ =	shalt  }
0x5d: {  	_ =	shalt  }
0x5e: {  	_ =	shalt  }
0x5f: {  	_ =	shalt  }
0x60: {  	_ =	shalt  }
0x61: {  	_ =	shalt  }
0x62: {  	_ =	shalt  }
0x63: {  	_ =	shalt  }
0x64: {  	_ =	shalt  }
0x65: {  	_ =	shalt  }
0x66: {  	_ =	shalt  }
0x67: {  	_ =	shalt  }
0x68: {  	_ =	shalt  }
0x69: {  	_ =	shalt  }
0x6a: {  	_ =	shalt  }
0x6b: {  	_ =	shalt  }
0x6c: {  	_ =	shalt  }
0x6d: {  	_ =	shalt  }
0x6e: {  	_ =	shalt  }
0x6f: {  	_ =	shalt  }
0x70: {  	_ =	shalt  }
0x71: {  	_ =	shalt  }
0x72: {  	_ =	shalt  }
0x73: {  	_ =	shalt  }
0x74: {  	_ =	shalt  }
0x75: {  	_ =	shalt  }
0x76: {  	_ =	shalt  }
0x77: {  	_ =	shalt  }
0x78: {  	_ =	shalt  }
0x79: {  	_ =	shalt  }
0x7a: {  	_ =	shalt  }
0x7b: {  	_ =	shalt  }
0x7c: {  	_ =	shalt  }
0x7d: {  	_ =	shalt  }
0x7e: {  	_ =	shalt  }
0x7f: {  	_ =	shalt  }
0x80: {  	_ =	shalt  }
0x81: {  	_ =	shalt  }
0x82: {  	_ =	shalt  }
0x83: {  	_ =	shalt  }
0x84: {  	_ =	shalt  }
0x85: {  	_ =	shalt  }
0x86: {  	_ =	shalt  }
0x87: {  	_ =	shalt  }
.Lfunc_end0:
.L_simem_size_0:
called_computation_lowered:
.L_overlay_start_0:
0x88: {  	s2 =	sld [smem:$0x3FD9]  }
0x89: {  	s3 =	sld [smem:$0x3FFE];
	_ =	sdelay $0x1  }
0x8a: {  	s1 =	srdreg.scid  }
0x8b: {  	s0 =	sand.u32 $0x1, s1  }
0x8c: {  	s17 =	sshll.u32 s0, $0xA;
	s2 =	sadd.s32 s3, s2  }
0x8d: {  	s2 =	sadd.s32 s2, s17  }
0x8e: {  	[smem:$0x3FC6] =	sst s2  }
0x8f: {  	_ = 	snop  }
0x90: {  	s2 =	sld [smem:$0x3FC8]  }
0x91: {  	s18 =	sld [smem:$0x3FD0];
	(tm) =	ssettm $0x1  }
0x92: {  	s4 =	sld [smem:$0x3FFB];
	_ =	sdelay $0x3  }
0x93: {  	_ =	strace s4  }
0x94: {  	s4 =	sld [smem:$0x3FFC];
	_ =	sdelay $0x3  }
0x95: {  	_ =	strace s4  }
0x96: {  	s4 =	sld [smem:$0x3FFD];
	_ =	sdelay $0x3  }
0x97: {  	_ =	strace s4  }
0x98: {  	_ =	strace $0x8FFFFFFF  }
0x99: {  	s19 =	sld [smem:$0x3FDB];
	_ =	sdelay $0x1  }
0x9a: {  	s5 =	simm.s32 $_scs_section_size  }
0x9b: {  	s6 =	simm.s32 $_size__tile_overlayer_lowered;
	s7 =	simm.s32 $_tile_overlayer_lowered  }
0x9c: {  	s22 =	simm.s32 $0x1BFF;
	s21 =	sshll.u32 s7, $0x1;
	s4 =	sadd.s32 s5, s19  }
0x9d: {  	s8 =	simm.s32 $0x0;
	s20 =	sshll.u32 s6, $0x1;
	s6 =	sadd.s32 s21, s4  }
0x9e: {  	[timem:s8], [sflag:s22] =	dma.local [hbm:s6], s20  }
0x9f: {  	_ =	swait.ge [sflag:s22], s20  }
0xa0: {  	s5 =	ssub.s32 $0x0, s20;
	[sflag:s22] =	ssyncset.done $0x0  }
0xa1: {  	[sflag:s22] =	ssyncadd.s32 s5;
	_ =	sdelay $0x1  }
0xa2: {  	s23 =	simm.s32 $0x1B8B  }
0xa3: {  	_ =	swait.ge [sflag:s23], $0x1  }
0xa4: {  	[sflag:s23] =	ssyncset.done $0x0  }
0xa5: {  	s25 =	simm.s32 $0x1B8E;
	s24 =	sld [smem:$0x3FFE];
	[sflag:s23] =	ssyncadd.s32 $0xFFFFFFFF  }
0xa6: {  	s26 =	simm.s32 $execute0_lowered;
	[smem:$0x3FD2] =	sst s25  }
0xa7: {  	s6 =	sshll.u32 s26, $0x1;
	_ =	strace $0x80000046;
	[dreg:$0x1] =	wrdreg $0xFFFFFFFF  }
0xa8: {  	s28 =	simm.s32 $_size_execute0_lowered;
	s4 =	sadd.s32 s4, s6;
	[dreg:$0x0] =	wrdreg $0x0  }
0xa9: {  	s6 =	sshll.u32 s28, $0x1;
	[dreg:$0x2] =	wrdreg s4  }
0xaa: {  	[dreg:$0x3] =	wrdreg s6  }
0xab: {  	[dreg:$0x4] =	wrdreg $0xC0  }
0xac: {  	_ =	task [dreg:s8], $0x5FFFF  }
0xad: {  	[dreg:$0x1] =	wrdreg $0xFFFFFFFF  }
0xae: {  	[dreg:$0x0] =	wrdreg $0x60  }
0xaf: {  	[dreg:$0x2] =	wrdreg s2  }
0xb0: {  	[dreg:$0x3] =	wrdreg s24  }
0xb1: {  	[dreg:$0x4] =	wrdreg s18  }
0xb2: {  	[dreg:$0x5] =	wrdreg $0x9  }
0xb3: {  	_ =	task.clear_ibuf [dreg:s8], $0x6FFFF;
	_ =	strace $0x90000046  }
0xb4: {  	s29 =	simm.s32 $0x9;
	_ =	strace $0x80000048  }
0xb5: {  	_ =	swait.ge [sflag:s29], $0x1  }
0xb6: {  	[sflag:s29] =	ssyncadd.s32 $0xFFFFFFFF  }
0xb7: {  	_ =	strace $0x90000048  }
0xb8: {  	_ =	sfence  }
0xb9: {  	s30 =	sld [smem:$0x0];
	_ =	sdelay $0x2  }
0xba: {  	s31 =	sshll.u32 s1, $0xD;
	s1 =	sshrl.u32 s1, $0x2  }
0xbb: {  	s3 =	sand.u32 $0x4000, s31;
	s1 =	sadd.s32 s1, s30  }
0xbc: {  	s0 =	sor.u32 s3, s0;
	s1 =	sshll.u32 s1, $0x11  }
0xbd: {  	s0 =	sor.u32 s1, s0  }
0xbe: {  	s0 =	sadd.s32 $0x8F2B, s0  }
0xbf: {  	[sflag:s0] =	ssyncadd.remote.s32 $0x1  }
0xc0: {  	_ =	sfence.sel $0xFFFF  }
0xc1: {  	[dreg:$0x0] =	wrdreg $0xFFFFFFFF;
	(pc) =	sbr.abs _section_cstart, $3  }
0xc2: {  	[dreg:$0x1] =	wrdreg $0xFFFFFFFF  }
0xc3: {  	_ =	task.clear_ibuf [dreg:s8], $0x2FFFF;
	_ =	strace $0x9FFFFFFF  }
0xc4: {  	(tm) =	ssettm $0x7FFFFFFF  }
0xc5: {  	_ =	shalt  }
tec
execute0_lowered:
.L_overlay_start_1:
0x0: {  	(tag) =	ssettag $0x1  }
0x1: {  	s0 =	srdreg.scid;
	s1 =	rddreg [dreg:$0x0]  }
0x2: {  	s8 =	stileid.u32;
	s4 =	rddreg [dreg:$0x1]  }
0x3: {  	s6 =	rddreg [dreg:$0x2];
	s3 =	simm.s32 $0x0;
	s11 =	simm.s32 $0x7  }
0x4: {  	s12 =	simm.s32 $0x80;
	s13 =	simm.s32 $0x6400;
	s14 =	simm.s32 $0xA400  }
0x5: {  	s16 =	simm.s32 $0xE400;
	s18 =	simm.s32 $0x12400;
	s20 =	simm.s32 $0x16400  }
0x6: {  	s21 =	simm.s32 $0x280;
	s22 =	simm.s32 $0x1A400;
	s23 =	simm.s32 $0x1  }
0x7: {  	s24 =	simm.s32 $0x2;
	s25 =	simm.s32 $0x3;
	s28 =	simm.s32 $0x5  }
0x8: {  	s29 =	simm.s32 $0x6;
	s30 =	simm.s32 $0x6300;
	s0 =	sand.u32 $0x1, s0  }
0x9: {  	s2 =	sshll.u32 s8, $0x1;
	[smem:$0x7FF] =	sst s3;
	s8 =	smul.u32 $0xC8000, s8  }
0xa: {  	s2 =	sor.u32 s0, s2;
	s26 =	ssub.s32 $0x2, s0;
	s0 =	smul.u32 $0x64000, s0  }
0xb: {  	s31 =	simm.s32 $0x6380;
	_ =	strace $0x80000047;
	s5 =	smul.u32 $0x6400, s2  }
0xc: {  	s2 =	smul.u32 $0x320000, s2;
	s7 =	sshrl.u32 s26, $0x1;
	s8 =	sadd.s32 s8, s6  }
0xd: {  	s9 =	ssub.s32 s26, s7;
	s0 =	sadd.s32 s0, s8;
	s26 =	simm.s32 $0x4  }
0xe: {  	s5 =	sshrl.u32 s5, $0x3;
	s2 =	sshrl.u32 s2, $0x3;
	s9 =	smax.u32 s9, $0x1  }
0xf: {  	s10 =	sadd.s32 $0x2000, s0;
	s4 =	sadd.s32 s5, s4;
	s2 =	sadd.s32 s6, s2  }
0x10: {  	s4 =	sadd.s32 $0x400, s4;
	s5 =	sadd.s32 $0x60000, s2;
	s6 =	sadd.s32 $0x61000, s2  }
0x11: {  	s7 =	sadd.s32 $0x62000, s2;
	s8 =	sadd.s32 $0x63000, s2;
	s2 =	simm.s32 $0x0  }
.LBB2_1:
0x12: {  	[tilespmem:s3], [sflag:$0x7] =	stream.linear.gather [hbm4b:s4+s3], $0x6400, $0x38;
	[tilespmem:$0x1E400] =	vst v63  }
0x13: {  	_ =	swait.ge [sflag:s11], $0x6400  }
0x14: {  	[sflag:s11] =	ssyncset.done $0x0  }
0x15: {  	[sflag:s11] =	ssyncadd.s32 $0xFFFF9C00  }
0x16: {  	[tilespmem:s13], [sflag:$0x1] =	stream.indirect.gather [hbm4b:s1+s12], $0x80, s3, s12, $0xb8;
	[tilespmem:$0x1E400] =	vst v63  }
0x17: {  	_ = 	snop  }
0x18: {  	[tilespmem:s14], [sflag:$0x1] =	stream.indirect.gather [hbm4b:s1+s12], $0x80, s12, s12, $0xb8;
	[tilespmem:$0x1E400] =	vst v63  }
0x19: {  	s0 =	simm.s32 $0x100  }
0x1a: {  	[tilespmem:s16], [sflag:$0x2] =	stream.indirect.gather [hbm4b:s1+s12], $0x80, s0, s12, $0xb8;
	[tilespmem:$0x1E400] =	vst v63  }
0x1b: {  	s15 =	simm.s32 $0x180  }
0x1c: {  	[tilespmem:s18], [sflag:$0x2] =	stream.indirect.gather [hbm4b:s1+s12], $0x80, s15, s12, $0xb8;
	[tilespmem:$0x1E400] =	vst v63  }
0x1d: {  	s17 =	simm.s32 $0x200  }
0x1e: {  	[tilespmem:s20], [sflag:$0x3] =	stream.indirect.gather [hbm4b:s1+s12], $0x80, s17, s12, $0xb8;
	[tilespmem:$0x1E400] =	vst v63  }
0x1f: {  	_ = 	snop  }
0x20: {  	[tilespmem:s22], [sflag:$0x3] =	stream.indirect.gather [hbm4b:s1+s12], $0x80, s21, s12, $0xb8;
	[tilespmem:$0x1E400] =	vst v63  }
0x21: {  	_ =	swait.ge [sflag:s23], $0x4000  }
0x22: {  	[sflag:s23] =	ssyncset.done $0x0  }
0x23: {  	[sflag:s23] =	ssyncadd.s32 $0xFFFFC000  }
0x24: {  	_ =	swait.ge [sflag:s23], $0x4000  }
0x25: {  	[sflag:s23] =	ssyncset.done $0x0  }
0x26: {  	s19 =	sadd.s32 $0xFFFFE000, s10;
	[sflag:s23] =	ssyncadd.s32 $0xFFFFC000  }
0x27: {  	[hbm4b:s19+s3] =	stream.linear.scatter [tilespmem:s13], [sflag:$0x4], $0x8000, $0x38;
	[tilespmem:$0x1E400] =	vst v63  }
0x28: {  	_ =	swait.ge [sflag:s24], $0x4000  }
0x29: {  	[sflag:s24] =	ssyncset.done $0x0  }
0x2a: {  	[sflag:s24] =	ssyncadd.s32 $0xFFFFC000  }
0x2b: {  	_ =	swait.ge [sflag:s24], $0x4000  }
0x2c: {  	[sflag:s24] =	ssyncset.done $0x0  }
0x2d: {  	s15 =	sadd.s32 $0xFFFFF000, s10;
	[sflag:s24] =	ssyncadd.s32 $0xFFFFC000  }
0x2e: {  	[hbm4b:s15+s3] =	stream.linear.scatter [tilespmem:s16], [sflag:$0x5], $0x8000, $0x38;
	[tilespmem:$0x1E400] =	vst v63  }
0x2f: {  	_ =	swait.ge [sflag:s25], $0x4000  }
0x30: {  	[sflag:s25] =	ssyncset.done $0x0  }
0x31: {  	[sflag:s25] =	ssyncadd.s32 $0xFFFFC000  }
0x32: {  	_ =	swait.ge [sflag:s25], $0x4000  }
0x33: {  	[sflag:s25] =	ssyncset.done $0x0  }
0x34: {  	[sflag:s25] =	ssyncadd.s32 $0xFFFFC000  }
0x35: {  	[hbm4b:s10+s3] =	stream.linear.scatter [tilespmem:s20], [sflag:$0x6], $0x8000, $0x38;
	[tilespmem:$0x1E400] =	vst v63  }
0x36: {  	_ =	swait.ge [sflag:s26], $0x8000  }
0x37: {  	[sflag:s26] =	ssyncset.done $0x0  }
0x38: {  	s17 =	simm.s32 $0x300;
	[sflag:s26] =	ssyncadd.s32 $0xFFFF8000  }
0x39: {  	[tilespmem:s13], [sflag:$0x1] =	stream.indirect.gather [hbm4b:s1+s12], $0x80, s17, s12, $0xb8;
	[tilespmem:$0x1E400] =	vst v63  }
0x3a: {  	s19 =	simm.s32 $0x380  }
0x3b: {  	[tilespmem:s14], [sflag:$0x1] =	stream.indirect.gather [hbm4b:s1+s12], $0x80, s19, s12, $0xb8;
	[tilespmem:$0x1E400] =	vst v63  }
0x3c: {  	_ =	swait.ge [sflag:s28], $0x8000  }
0x3d: {  	[sflag:s28] =	ssyncset.done $0x0  }
0x3e: {  	s15 =	simm.s32 $0x400;
	[sflag:s28] =	ssyncadd.s32 $0xFFFF8000  }
0x3f: {  	[tilespmem:s16], [sflag:$0x2] =	stream.indirect.gather [hbm4b:s1+s12], $0x80, s15, s12, $0xb8;
	[tilespmem:$0x1E400] =	vst v63  }
0x40: {  	s17 =	simm.s32 $0x480  }
0x41: {  	[tilespmem:s18], [sflag:$0x2] =	stream.indirect.gather [hbm4b:s1+s12], $0x80, s17, s12, $0xb8;
	[tilespmem:$0x1E400] =	vst v63  }
0x42: {  	_ =	swait.ge [sflag:s29], $0x8000  }
0x43: {  	s0 =	simm.s32 $0xC00;
	s19 =	simm.s32 $0x500;
	[sflag:s29] =	ssyncset.done $0x0  }
0x44: {  	s15 =	sadd.s32 $0x3000, s10;
	s17 =	simm.s32 $0x580;
	[sflag:s29] =	ssyncadd.s32 $0xFFFF8000  }
0x45: {  	[tilespmem:s20], [sflag:$0x3] =	stream.indirect.gather [hbm4b:s1+s12], $0x80, s19, s12, $0xb8;
	[tilespmem:$0x1E400] =	vst v63  }
.LBB2_2:
0x46: {  	[tilespmem:s22], [sflag:$0x3] =	stream.indirect.gather [hbm4b:s1+s12], $0x80, s17, s12, $0xb8;
	[tilespmem:$0x1E400] =	vst v63  }
0x47: {  	s17 =	smov.u32 s0  }
0x48: {  	p0 =	sne.s32 s0, $0x17400;
	s0 =	sadd.s32 $0xC00, s0;
	_ =	swait.ge [sflag:s23], $0x4000  }
0x49: {  	[sflag:s23] =	ssyncset.done $0x0  }
0x4a: {  	[sflag:s23] =	ssyncadd.s32 $0xFFFFC000  }
0x4b: {  	_ =	swait.ge [sflag:s23], $0x4000  }
0x4c: {  	[sflag:s23] =	ssyncset.done $0x0  }
0x4d: {  	s19 =	sadd.s32 $0xFFFFE000, s15;
	[sflag:s23] =	ssyncadd.s32 $0xFFFFC000  }
0x4e: {  	[hbm4b:s19+s3] =	stream.linear.scatter [tilespmem:s13], [sflag:$0x4], $0x8000, $0x38;
	[tilespmem:$0x1E400] =	vst v63  }
0x4f: {  	_ =	swait.ge [sflag:s24], $0x4000  }
0x50: {  	[sflag:s24] =	ssyncset.done $0x0  }
0x51: {  	[sflag:s24] =	ssyncadd.s32 $0xFFFFC000  }
0x52: {  	_ =	swait.ge [sflag:s24], $0x4000  }
0x53: {  	[sflag:s24] =	ssyncset.done $0x0  }
0x54: {  	s19 =	sadd.s32 $0xFFFFF000, s15;
	[sflag:s24] =	ssyncadd.s32 $0xFFFFC000  }
0x55: {  	[hbm4b:s19+s3] =	stream.linear.scatter [tilespmem:s16], [sflag:$0x5], $0x8000, $0x38;
	[tilespmem:$0x1E400] =	vst v63  }
0x56: {  	_ =	swait.ge [sflag:s25], $0x4000  }
0x57: {  	[sflag:s25] =	ssyncset.done $0x0  }
0x58: {  	[sflag:s25] =	ssyncadd.s32 $0xFFFFC000  }
0x59: {  	_ =	swait.ge [sflag:s25], $0x4000  }
0x5a: {  	[sflag:s25] =	ssyncset.done $0x0  }
0x5b: {  	[sflag:s25] =	ssyncadd.s32 $0xFFFFC000  }
0x5c: {  	[hbm4b:s15+s3] =	stream.linear.scatter [tilespmem:s20], [sflag:$0x6], $0x8000, $0x38;
	[tilespmem:$0x1E400] =	vst v63  }
0x5d: {  	_ =	swait.ge [sflag:s26], $0x8000  }
0x5e: {  	s17 =	sshra.s32 s17, $0x2;
	[sflag:s26] =	ssyncset.done $0x0  }
0x5f: {  	s19 =	sadd.s32 $0x300, s17;
	[sflag:s26] =	ssyncadd.s32 $0xFFFF8000  }
0x60: {  	[tilespmem:s13], [sflag:$0x1] =	stream.indirect.gather [hbm4b:s1+s12], $0x80, s19, s12, $0xb8;
	[tilespmem:$0x1E400] =	vst v63  }
0x61: {  	s19 =	sadd.s32 $0x380, s17  }
0x62: {  	[tilespmem:s14], [sflag:$0x1] =	stream.indirect.gather [hbm4b:s1+s12], $0x80, s19, s12, $0xb8;
	[tilespmem:$0x1E400] =	vst v63  }
0x63: {  	_ =	swait.ge [sflag:s28], $0x8000  }
0x64: {  	[sflag:s28] =	ssyncset.done $0x0  }
0x65: {  	s19 =	sadd.s32 $0x400, s17;
	[sflag:s28] =	ssyncadd.s32 $0xFFFF8000  }
0x66: {  	[tilespmem:s16], [sflag:$0x2] =	stream.indirect.gather [hbm4b:s1+s12], $0x80, s19, s12, $0xb8;
	[tilespmem:$0x1E400] =	vst v63  }
0x67: {  	s19 =	sadd.s32 $0x480, s17  }
0x68: {  	[tilespmem:s18], [sflag:$0x2] =	stream.indirect.gather [hbm4b:s1+s12], $0x80, s19, s12, $0xb8;
	[tilespmem:$0x1E400] =	vst v63  }
.Ltmp0:
0x69: {  	_ =	swait.ge [sflag:s29], $0x8000;
	(pc) =	sbr.rel @p0 .LBB2_2-.Ltmp0, $4  }
0x6a: {  	[sflag:s29] =	ssyncset.done $0x0  }
0x6b: {  	s19 =	sadd.s32 $0x500, s17;
	[sflag:s29] =	ssyncadd.s32 $0xFFFF8000  }
0x6c: {  	[tilespmem:s20], [sflag:$0x3] =	stream.indirect.gather [hbm4b:s1+s12], $0x80, s19, s12, $0xb8;
	[tilespmem:$0x1E400] =	vst v63  }
0x6d: {  	s15 =	sadd.s32 $0x3000, s15;
	s17 =	sadd.s32 $0x580, s17  }
0x6e: {  	[tilespmem:s22], [sflag:$0x3] =	stream.indirect.gather [hbm4b:s1+s12], $0x80, s17, s12, $0xb8;
	[tilespmem:$0x1E400] =	vst v63  }
0x6f: {  	_ =	swait.ge [sflag:s23], $0x4000  }
0x70: {  	[sflag:s23] =	ssyncset.done $0x0  }
0x71: {  	[sflag:s23] =	ssyncadd.s32 $0xFFFFC000  }
0x72: {  	_ =	swait.ge [sflag:s23], $0x4000  }
0x73: {  	[sflag:s23] =	ssyncset.done $0x0  }
0x74: {  	[sflag:s23] =	ssyncadd.s32 $0xFFFFC000  }
0x75: {  	[hbm4b:s5+s3] =	stream.linear.scatter [tilespmem:s13], [sflag:$0x4], $0x8000, $0x38;
	[tilespmem:$0x1E400] =	vst v63  }
0x76: {  	_ =	swait.ge [sflag:s26], $0x8000  }
0x77: {  	[sflag:s26] =	ssyncset.done $0x0  }
0x78: {  	[sflag:s26] =	ssyncadd.s32 $0xFFFF8000  }
0x79: {  	[tilespmem:s13], [sflag:$0x1] =	stream.indirect.gather [hbm4b:s1+s12], $0x80, s30, s12, $0xb8;
	[tilespmem:$0x1E400] =	vst v63  }
0x7a: {  	_ = 	snop  }
0x7b: {  	[tilespmem:s14], [sflag:$0x1] =	stream.indirect.gather [hbm4b:s1+s12], $0x80, s31, s12, $0xb8;
	[tilespmem:$0x1E400] =	vst v63  }
0x7c: {  	_ =	swait.ge [sflag:s24], $0x4000  }
0x7d: {  	[sflag:s24] =	ssyncset.done $0x0  }
0x7e: {  	[sflag:s24] =	ssyncadd.s32 $0xFFFFC000  }
0x7f: {  	_ =	swait.ge [sflag:s24], $0x4000  }
0x80: {  	[sflag:s24] =	ssyncset.done $0x0  }
0x81: {  	[sflag:s24] =	ssyncadd.s32 $0xFFFFC000  }
0x82: {  	[hbm4b:s6+s3] =	stream.linear.scatter [tilespmem:s16], [sflag:$0x5], $0x8000, $0x38;
	[tilespmem:$0x1E400] =	vst v63  }
0x83: {  	_ =	swait.ge [sflag:s25], $0x4000  }
0x84: {  	[sflag:s25] =	ssyncset.done $0x0  }
0x85: {  	[sflag:s25] =	ssyncadd.s32 $0xFFFFC000  }
0x86: {  	_ =	swait.ge [sflag:s25], $0x4000  }
0x87: {  	[sflag:s25] =	ssyncset.done $0x0  }
0x88: {  	[sflag:s25] =	ssyncadd.s32 $0xFFFFC000  }
0x89: {  	[hbm4b:s7+s3] =	stream.linear.scatter [tilespmem:s20], [sflag:$0x6], $0x8000, $0x38;
	[tilespmem:$0x1E400] =	vst v63  }
0x8a: {  	_ =	swait.ge [sflag:s23], $0x4000  }
0x8b: {  	[sflag:s23] =	ssyncset.done $0x0  }
0x8c: {  	[sflag:s23] =	ssyncadd.s32 $0xFFFFC000  }
0x8d: {  	_ =	swait.ge [sflag:s23], $0x4000  }
0x8e: {  	[sflag:s23] =	ssyncset.done $0x0  }
0x8f: {  	[sflag:s23] =	ssyncadd.s32 $0xFFFFC000  }
0x90: {  	[hbm4b:s8+s3] =	stream.linear.scatter [tilespmem:s13], [sflag:$0x4], $0x8000, $0x38;
	[tilespmem:$0x1E400] =	vst v63  }
0x91: {  	_ =	swait.ge [sflag:s28], $0x8000  }
0x92: {  	[sflag:s28] =	ssyncset.done $0x0  }
0x93: {  	s2 =	sadd.s32 $0x1, s2;
	[sflag:s28] =	ssyncadd.s32 $0xFFFF8000  }
0x94: {  	p0 =	sne.s32 s2, s9;
	_ =	swait.ge [sflag:s29], $0x8000  }
.Ltmp1:
0x95: {  	[sflag:s29] =	ssyncset.done $0x0;
	(pc) =	sbr.rel @p0 .LBB2_1-.Ltmp1, $4  }
0x96: {  	[sflag:s29] =	ssyncadd.s32 $0xFFFF8000  }
0x97: {  	_ =	swait.ge [sflag:s26], $0x8000  }
0x98: {  	[sflag:s26] =	ssyncset.done $0x0  }
0x99: {  	[sflag:s26] =	ssyncadd.s32 $0xFFFF8000  }
0x9a: {  	_ =	sfence.sel $0x180000  }
0x9b: {  	[bflag:$0x0] =	sbarrier.arrive $0xFFFF  }
0x9c: {  	_ =	strace $0x90000047  }
0x9d: {  	s0 =	stileid.u32;
	[bflag:$0x2] =	sbarrier.arrive $0xFFFF  }
0x9e: {  	p0 =	sne.s32 s0, $0x0;
	s0 =	rddreg [dreg:$0x3]  }
0x9f: {  	s0 =	sadd.s32 @!p0 $0x100000, s0  }
0xa0: {  	[sflag:s0] =	ssyncadd.tile.s32 @!p0 $0x1;
	_ =	shalt  }
.Lfunc_end2:
_tile_overlayer_lowered:
.L_overlay_start_2:
0xa1: {  	(tag) =	ssettag $0x2  }
0xa2: {  	s0 =	rddreg [dreg:$0x0];
	s2 =	stileid.u32  }
0xa3: {  	s1 =	rddreg [dreg:$0x1];
	p0 =	sne.s32 s2, $0x0  }
0xa4: {  	s3 =	rddreg [dreg:$0x2];
	[bflag:$0x3] =	sbarrier.arrive $0xFFFF;
	s2 =	simm.s32 @!p0 $0x1C07  }
0xa5: {  	[timem:s3], [sflag:s2] =	dma.local @!p0 [hbm:s0], s1  }
0xa6: {  	s0 =	simm.s32 @!p0 $0x7  }
0xa7: {  	_ =	swait.ge @!p0 [sflag:s0], s1  }
0xa8: {  	s1 =	ssub.s32 @!p0 $0x0, s1;
	[sflag:s0] =	ssyncset.done @!p0 $0x0  }
0xa9: {  	[sflag:s0] =	ssyncadd.s32 @!p0 s1  }
0xaa: {  	[bflag:$0x3] =	sbarrier.arrive $0xFFFF  }
0xab: {  	_ =	shalt  }

</sc_bundles>
